<compile_context>
chip_gen: v7x
topology: tpu7x:2x2x1
jax: 0.10.2.dev20260603
libtpu: 0.0.44.dev20260713+nightly
codegen_flags: <defaults>
</compile_context>

<pallas_src>
import functools

import numpy as np
import jax
import jax.numpy as jnp
from jax import lax
from jax.experimental import pallas as pl
from jax.experimental.pallas import tpu as pltpu
from jax.experimental.pallas import tpu_sc as plsc

_NUM_DN_GROUPS = 5
_BOX_NOISE_SCALE = 0.4
_LABEL_NOISE_RATIO = 0.2
_LANES = 16


@functools.lru_cache(maxsize=None)
def _rng_consts(b, n_dn, num_classes):
    cpu = jax.devices("cpu")[0]
    with jax.ensure_compile_time_eval():
        with jax.default_device(cpu):
            nkey = jax.random.key(42)
            kn, km, kr = jax.random.split(nkey, 3)
            noise = jax.random.uniform(kn, (b, n_dn, 4), dtype=jnp.float32) * 2.0 - 1.0
            noise_mask = jax.random.uniform(km, (b, n_dn)) < _LABEL_NOISE_RATIO
            rand_labels = jax.random.randint(kr, (b, n_dn), 0, num_classes,
                                             dtype=jnp.int32)
    noise = np.asarray(noise)
    rand_or_neg = np.where(np.asarray(noise_mask), np.asarray(rand_labels),
                           np.int32(-1)).astype(np.int32)
    return (noise[..., 0], noise[..., 1], noise[..., 2], noise[..., 3],
            rand_or_neg)


@functools.lru_cache(maxsize=None)
def _build_sc_gather(b, n_dn, d):
    info = plsc.get_sparse_core_info()
    nc, ns = info.num_cores, info.num_subcores
    nw = nc * ns
    n_rows = b * n_dn
    per_w = n_rows // nw
    assert per_w * nw == n_rows and per_w % 8 == 0
    chunk = 80
    n_chunks = per_w // chunk
    assert n_chunks * chunk == per_w and chunk % _LANES == 0
    mesh = plsc.VectorSubcoreMesh(core_axis_name="c", subcore_axis_name="s")

    scratch = [
        pltpu.VMEM((per_w,), jnp.int32),
        pltpu.VMEM((per_w,), jnp.int32),
        pltpu.VMEM((n_chunks, chunk), jnp.int32),
        pltpu.VMEM((per_w, d), jnp.float32),
        pltpu.SemaphoreType.DMA,
    ]

    @functools.partial(
        pl.kernel,
        out_type=jax.ShapeDtypeStruct((n_rows, d), jnp.float32),
        mesh=mesh,
        scratch_types=scratch,
    )
    def sc_gather(lab_hbm, rnd_hbm, table_hbm, out_hbm,
                  lab_v, rnd_v, sel_v, rows_v, sem):
        wid = lax.axis_index("s") * nc + lax.axis_index("c")
        base = wid * per_w
        pltpu.sync_copy(lab_hbm.at[pl.ds(base, per_w)], lab_v)
        pltpu.sync_copy(rnd_hbm.at[pl.ds(base, per_w)], rnd_v)
        for k in range(n_chunks):
            for o in range(0, chunk, _LANES):
                sl = pl.ds(k * chunk + o, _LANES)
                r = rnd_v[sl]
                sel_v[k, pl.ds(o, _LANES)] = jnp.where(r >= 0, r, lab_v[sl])
        gathers = []
        for k in range(n_chunks):
            cp = pltpu.make_async_copy(
                table_hbm.at[sel_v.at[k]],
                rows_v.at[pl.ds(k * chunk, chunk)],
                sem,
            )
            cp.start()
            gathers.append(cp)
        for cp in gathers:
            cp.wait()
        pltpu.sync_copy(rows_v, out_hbm.at[pl.ds(base, per_w)])

    return sc_gather


def _mask_kernel(total_q, n_dn, max_gt, boundary):
    rows_per_block = 200
    grid = total_q // rows_per_block

    def body(bnd_ref, o_ref):
        row0 = pl.program_id(0) * rows_per_block
        bnd = bnd_ref[0]
        i = lax.broadcasted_iota(jnp.int32, (rows_per_block, total_q), 0) + row0
        j = lax.broadcasted_iota(jnp.int32, (rows_per_block, total_q), 1)
        base = (i >= bnd) & (j < bnd)
        extra = (i < n_dn) & (j < n_dn) & ((i // max_gt) != (j // max_gt))
        o_ref[...] = base | extra

    return pl.pallas_call(
        body,
        grid=(grid,),
        in_specs=[pl.BlockSpec(memory_space=pltpu.SMEM)],
        out_specs=pl.BlockSpec((rows_per_block, total_q), lambda i: (i, 0)),
        out_shape=jax.ShapeDtypeStruct((total_q, total_q), jnp.bool_),
    )(boundary)


def _box_noise_kernel(cx, cy, w, h, n0, n1, n2, n3):
    def body(cx_r, cy_r, w_r, h_r, n0_r, n1_r, n2_r, n3_r,
             ocx, ocy, ow, oh):
        wv = w_r[...]
        hv = h_r[...]
        s = _BOX_NOISE_SCALE
        ocx[...] = jnp.clip(cx_r[...] + n0_r[...] * (wv / 2.0) * s, 0.0, 1.0)
        ocy[...] = jnp.clip(cy_r[...] + n1_r[...] * (hv / 2.0) * s, 0.0, 1.0)
        ow[...] = jnp.clip(wv + n2_r[...] * wv * s, 0.0, 1.0)
        oh[...] = jnp.clip(hv + n3_r[...] * hv * s, 0.0, 1.0)

    shape = jax.ShapeDtypeStruct(cx.shape, jnp.float32)
    return pl.pallas_call(
        body,
        out_shape=(shape, shape, shape, shape),
    )(cx, cy, w, h, n0, n1, n2, n3)


def kernel(gt_boxes, gt_labels, num_queries, label_embed):
    b, max_gt = gt_labels.shape
    num_classes, d_model = label_embed.shape
    max_dn = 100
    eff_groups = min(_NUM_DN_GROUPS, max(1, max_dn // max_gt))
    n_dn = max_gt * eff_groups
    total_q = n_dn + 900

    boxes_rep = jnp.tile(gt_boxes, (1, eff_groups, 1))
    labels_rep = jnp.tile(gt_labels, (1, eff_groups))

    n0, n1, n2, n3, rand_or_neg = _rng_consts(b, n_dn, num_classes)

    boundary = jnp.asarray(total_q - num_queries, jnp.int32).reshape(1)
    attn_mask = _mask_kernel(total_q, n_dn, max_gt, boundary)

    ocx, ocy, ow, oh = _box_noise_kernel(
        boxes_rep[..., 0], boxes_rep[..., 1],
        boxes_rep[..., 2], boxes_rep[..., 3],
        jnp.asarray(n0), jnp.asarray(n1), jnp.asarray(n2), jnp.asarray(n3),
    )
    dn_reference_points = jnp.stack([ocx, ocy, ow, oh], axis=-1)

    sc_gather = _build_sc_gather(b, n_dn, d_model)
    dn_queries = sc_gather(labels_rep.reshape(-1),
                           jnp.asarray(rand_or_neg).reshape(-1),
                           label_embed)
    dn_queries = dn_queries.reshape(b, n_dn, d_model)

    return (dn_queries, dn_reference_points, labels_rep, boxes_rep, attn_mask)

# --- scband reference (transcript-rebuilt; emitter-appended) ---
"""Pipeline reference for scband-denoising-generator-74990128988386 (READ-ONLY COPY).

The authoritative reference and input builder live on the scoring server;
editing this copy changes nothing except your own understanding.
"""

import jax, jax.numpy as jnp
import numpy as np

D_MODEL = 256
NUM_CLASSES = 91
NUM_DN_GROUPS = 5
BOX_NOISE_SCALE = 0.4
LABEL_NOISE_RATIO = 0.2


def setup_inputs(seed: int = 0) -> dict:
    key = jax.random.key(seed)
    k1, k2, k3 = jax.random.split(key, 3)
    gt_boxes = jax.random.uniform(k1, (128, 20, 4), dtype=jnp.float32)
    gt_labels = jax.random.randint(k2, (128, 20), 0, NUM_CLASSES, dtype=jnp.int32)
    label_embed = jax.random.normal(k3, (NUM_CLASSES, D_MODEL), dtype=jnp.float32)
    return {"gt_boxes": gt_boxes, "gt_labels": gt_labels, "num_queries": 900, "label_embed": label_embed}


def reference(gt_boxes, gt_labels, num_queries, label_embed):
    # gt_boxes: [B, N, 4] cxcywh in [0,1]; gt_labels: [B, N] int.
    # Torch forward takes lists of per-image tensors; a batched tensor with
    # uniform N per image is equivalent (iterating dim 0 yields the list).
    B, max_gt = gt_labels.shape
    max_dn = 100
    effective_groups = min(NUM_DN_GROUPS, max(1, max_dn // max_gt))
    n_dn = max_gt * effective_groups

    boxes_rep = jnp.tile(gt_boxes, (1, effective_groups, 1))
    labels_rep = jnp.tile(gt_labels, (1, effective_groups))
    # all GT slots are valid (uniform N), so valid_rep is all ones
    valid = jnp.ones((B, n_dn, 1), dtype=jnp.float32)

    nkey = jax.random.key(42)
    kn, km, kr = jax.random.split(nkey, 3)
    noise = jax.random.uniform(kn, boxes_rep.shape, dtype=jnp.float32) * 2.0 - 1.0
    cx, cy, w, h = boxes_rep[..., 0], boxes_rep[..., 1], boxes_rep[..., 2], boxes_rep[..., 3]
    noised_cx = cx + noise[..., 0] * (w / 2.0) * BOX_NOISE_SCALE
    noised_cy = cy + noise[..., 1] * (h / 2.0) * BOX_NOISE_SCALE
    noised_w = w + noise[..., 2] * w * BOX_NOISE_SCALE
    noised_h = h + noise[..., 3] * h * BOX_NOISE_SCALE
    noised_boxes = jnp.stack([noised_cx, noised_cy, noised_w, noised_h], axis=-1)
    noised_boxes = jnp.clip(noised_boxes, 0.0, 1.0)

    label_noise_mask = jax.random.uniform(km, labels_rep.shape) < LABEL_NOISE_RATIO
    random_labels = jax.random.randint(kr, labels_rep.shape, 0, NUM_CLASSES, dtype=labels_rep.dtype)
    noised_labels = jnp.where(label_noise_mask, random_labels, labels_rep)

    # embedding lookup (SparseCore gather)
    dn_queries = jnp.take(label_embed, noised_labels, axis=0)
    dn_queries = dn_queries * valid
    dn_reference_points = noised_boxes * valid

    total_q = n_dn + 900
    boundary = total_q - jnp.asarray(num_queries)
    idx = jnp.arange(total_q)
    attn_mask = (idx[:, None] >= boundary) & (idx[None, :] < boundary)
    for i in range(effective_groups):
        for j in range(effective_groups):
            if i != j:
                attn_mask = attn_mask.at[i * max_gt:(i + 1) * max_gt, j * max_gt:(j + 1) * max_gt].set(True)

    return (dn_queries, dn_reference_points, labels_rep, boxes_rep, attn_mask)

if __name__ == "__main__":
    import jax
    _d = setup_inputs()
    print(jax.jit(kernel)(*tuple(_d.values())))

</pallas_src>

<mosaic_0001>
#map = affine_map<(d0, d1) -> (0)>
#map1 = affine_map<(d0, d1) -> (0, 0)>
module attributes {stable_mosaic.version = 14 : i64} {
  func.func @sc_gather(%arg0: i32, %arg1: i32, %arg2: memref<12800xi32, #tpu.memory_space<hbm>>, %arg3: memref<12800xi32, #tpu.memory_space<hbm>>, %arg4: memref<91x256xf32, #tpu.memory_space<hbm>>, %arg5: memref<12800x256xf32, #tpu.memory_space<hbm>>, %arg6: memref<400xi32, #tpu.memory_space<vmem>>, %arg7: memref<400xi32, #tpu.memory_space<vmem>>, %arg8: memref<5x80xi32, #tpu.memory_space<vmem>>, %arg9: memref<400x256xf32, #tpu.memory_space<vmem>>, %arg10: memref<!tpu.dma_semaphore, #tpu.memory_space<semaphore_mem>>) attributes {dimension_semantics = [#tpu.dimension_semantics<core_parallel>, #tpu.dimension_semantics<subcore_parallel>], iteration_bounds = array<i64: 2, 16>, scalar_prefetch = 0 : i64, scratch_operands = 5 : i64, tpu.core_type = #tpu.core_type<sc_vector_subcore>, window_params = [{transform_indices = #map}, {transform_indices = #map}, {transform_indices = #map1}, {transform_indices = #map1}]} {
    %mul3A = arith.constant 2 : i32
    %mul3A_0 = arith.muli %arg1, %mul3A : i32
    %add3A = arith.addi %mul3A_0, %arg0 : i32
    %mul3A_1 = arith.constant 400 : i32
    %mul3A_2 = arith.muli %add3A, %mul3A_1 : i32
    "tpu.region"() ({
      %run_scoped3A = tpu.sem_alloc : memref<!tpu.dma_semaphore, #tpu.memory_space<semaphore_mem>>
      %dma_start3A_497 = tpu.memref_slice %arg2[%mul3A_2] : memref<12800xi32, #tpu.memory_space<hbm>> -> memref<400xi32, #tpu.memory_space<hbm>>
      %dma_start3A_498 = tpu.memref_slice %arg2[%mul3A_2] : memref<12800xi32, #tpu.memory_space<hbm>> -> memref<400xi32, #tpu.memory_space<hbm>>
      tpu.enqueue_dma source(%dma_start3A_498 : memref<400xi32, #tpu.memory_space<hbm>>) target(%arg6 : memref<400xi32, #tpu.memory_space<vmem>>) target_semaphore(%run_scoped3A : memref<!tpu.dma_semaphore, #tpu.memory_space<semaphore_mem>>)
      %dma_wait3A_499 = tpu.memref_slice %arg2[%mul3A_2] : memref<12800xi32, #tpu.memory_space<hbm>> -> memref<400xi32, #tpu.memory_space<hbm>>
      %dma_wait3A_500 = tpu.memref_slice %arg2[%mul3A_2] : memref<12800xi32, #tpu.memory_space<hbm>> -> memref<400xi32, #tpu.memory_space<hbm>>
      tpu.wait_dma2 semaphore(%run_scoped3A : memref<!tpu.dma_semaphore, #tpu.memory_space<semaphore_mem>>) src(%dma_wait3A_500 : memref<400xi32, #tpu.memory_space<hbm>>) dst(%arg6 : memref<400xi32, #tpu.memory_space<vmem>>)
      tpu.yield
    }) : () -> ()
    "tpu.region"() ({
      %run_scoped3A = tpu.sem_alloc : memref<!tpu.dma_semaphore, #tpu.memory_space<semaphore_mem>>
      %dma_start3A_497 = tpu.memref_slice %arg3[%mul3A_2] : memref<12800xi32, #tpu.memory_space<hbm>> -> memref<400xi32, #tpu.memory_space<hbm>>
      %dma_start3A_498 = tpu.memref_slice %arg3[%mul3A_2] : memref<12800xi32, #tpu.memory_space<hbm>> -> memref<400xi32, #tpu.memory_space<hbm>>
      tpu.enqueue_dma source(%dma_start3A_498 : memref<400xi32, #tpu.memory_space<hbm>>) target(%arg7 : memref<400xi32, #tpu.memory_space<vmem>>) target_semaphore(%run_scoped3A : memref<!tpu.dma_semaphore, #tpu.memory_space<semaphore_mem>>)
      %dma_wait3A_499 = tpu.memref_slice %arg3[%mul3A_2] : memref<12800xi32, #tpu.memory_space<hbm>> -> memref<400xi32, #tpu.memory_space<hbm>>
      %dma_wait3A_500 = tpu.memref_slice %arg3[%mul3A_2] : memref<12800xi32, #tpu.memory_space<hbm>> -> memref<400xi32, #tpu.memory_space<hbm>>
      tpu.wait_dma2 semaphore(%run_scoped3A : memref<!tpu.dma_semaphore, #tpu.memory_space<semaphore_mem>>) src(%dma_wait3A_500 : memref<400xi32, #tpu.memory_space<hbm>>) dst(%arg7 : memref<400xi32, #tpu.memory_space<vmem>>)
      tpu.yield
    }) : () -> ()
    %get3A = arith.constant 0 : index
    %get3A_3 = tpu.vector_load %arg7[%get3A] {strides = array<i32>} : memref<400xi32, #tpu.memory_space<vmem>>, vector<16xi32>,
    %get3A_4 = vector.shape_cast %get3A_3 : vector<16xi32> to vector<16xi32>
    %ge3A = arith.constant 0 : i32
    %ge3A_5 = vector.broadcast %ge3A : i32 to vector<16xi32>
    %ge3A_6 = arith.cmpi sge, %get3A_4, %ge3A_5 : vector<16xi32>
    %get3A_7 = arith.constant 0 : index
    %get3A_8 = tpu.vector_load %arg6[%get3A_7] {strides = array<i32>} : memref<400xi32, #tpu.memory_space<vmem>>, vector<16xi32>,
    %get3A_9 = vector.shape_cast %get3A_8 : vector<16xi32> to vector<16xi32>
    %select_n3A = arith.select %ge3A_6, %get3A_4, %get3A_9 : vector<16xi1>, vector<16xi32>
    %swap3A = arith.constant 0 : i32
    %swap3A_10 = arith.index_cast %swap3A : i32 to index
    %swap3A_11 = arith.constant 0 : index
    %swap3A_12 = tpu.vector_load %arg8[%swap3A_10, %swap3A_11] {strides = array<i32>} : memref<5x80xi32, #tpu.memory_space<vmem>>, vector<1x16xi32>,
    %swap3A_13 = vector.shape_cast %swap3A_12 : vector<1x16xi32> to vector<16xi32>
    %swap3A_14 = vector.shape_cast %select_n3A : vector<16xi32> to vector<1x16xi32>
    tpu.vector_store %arg8[%swap3A_10, %swap3A_11], %swap3A_14 {strides = array<i32>} : memref<5x80xi32, #tpu.memory_space<vmem>>, vector<1x16xi32>,
    %get3A_15 = arith.constant 16 : index
    %get3A_16 = tpu.vector_load %arg7[%get3A_15] {strides = array<i32>} : memref<400xi32, #tpu.memory_space<vmem>>, vector<16xi32>,
    %get3A_17 = vector.shape_cast %get3A_16 : vector<16xi32> to vector<16xi32>
    %ge3A_18 = arith.constant 0 : i32
    %ge3A_19 = vector.broadcast %ge3A_18 : i32 to vector<16xi32>
    %ge3A_20 = arith.cmpi sge, %get3A_17, %ge3A_19 : vector<16xi32>
    %get3A_21 = arith.constant 16 : index
    %get3A_22 = tpu.vector_load %arg6[%get3A_21] {strides = array<i32>} : memref<400xi32, #tpu.memory_space<vmem>>, vector<16xi32>,
    %get3A_23 = vector.shape_cast %get3A_22 : vector<16xi32> to vector<16xi32>
    %select_n3A_24 = arith.select %ge3A_20, %get3A_17, %get3A_23 : vector<16xi1>, vector<16xi32>
    %swap3A_25 = arith.constant 0 : i32
    %swap3A_26 = arith.index_cast %swap3A_25 : i32 to index
    %swap3A_27 = arith.constant 16 : index
    %swap3A_28 = tpu.vector_load %arg8[%swap3A_26, %swap3A_27] {strides = array<i32>} : memref<5x80xi32, #tpu.memory_space<vmem>>, vector<1x16xi32>,
    %swap3A_29 = vector.shape_cast %swap3A_28 : vector<1x16xi32> to vector<16xi32>
    %swap3A_30 = vector.shape_cast %select_n3A_24 : vector<16xi32> to vector<1x16xi32>
    tpu.vector_store %arg8[%swap3A_26, %swap3A_27], %swap3A_30 {strides = array<i32>} : memref<5x80xi32, #tpu.memory_space<vmem>>, vector<1x16xi32>,
    %get3A_31 = arith.constant 32 : index
    %get3A_32 = tpu.vector_load %arg7[%get3A_31] {strides = array<i32>} : memref<400xi32, #tpu.memory_space<vmem>>, vector<16xi32>,
    %get3A_33 = vector.shape_cast %get3A_32 : vector<16xi32> to vector<16xi32>
    %ge3A_34 = arith.constant 0 : i32
    %ge3A_35 = vector.broadcast %ge3A_34 : i32 to vector<16xi32>
    %ge3A_36 = arith.cmpi sge, %get3A_33, %ge3A_35 : vector<16xi32>
    %get3A_37 = arith.constant 32 : index
    %get3A_38 = tpu.vector_load %arg6[%get3A_37] {strides = array<i32>} : memref<400xi32, #tpu.memory_space<vmem>>, vector<16xi32>,
    %get3A_39 = vector.shape_cast %get3A_38 : vector<16xi32> to vector<16xi32>
    %select_n3A_40 = arith.select %ge3A_36, %get3A_33, %get3A_39 : vector<16xi1>, vector<16xi32>
    %swap3A_41 = arith.constant 0 : i32
    %swap3A_42 = arith.index_cast %swap3A_41 : i32 to index
    %swap3A_43 = arith.constant 32 : index
    %swap3A_44 = tpu.vector_load %arg8[%swap3A_42, %swap3A_43] {strides = array<i32>} : memref<5x80xi32, #tpu.memory_space<vmem>>, vector<1x16xi32>,
    %swap3A_45 = vector.shape_cast %swap3A_44 : vector<1x16xi32> to vector<16xi32>
    %swap3A_46 = vector.shape_cast %select_n3A_40 : vector<16xi32> to vector<1x16xi32>
    tpu.vector_store %arg8[%swap3A_42, %swap3A_43], %swap3A_46 {strides = array<i32>} : memref<5x80xi32, #tpu.memory_space<vmem>>, vector<1x16xi32>,
    %get3A_47 = arith.constant 48 : index
    %get3A_48 = tpu.vector_load %arg7[%get3A_47] {strides = array<i32>} : memref<400xi32, #tpu.memory_space<vmem>>, vector<16xi32>,
    %get3A_49 = vector.shape_cast %get3A_48 : vector<16xi32> to vector<16xi32>
    %ge3A_50 = arith.constant 0 : i32
    %ge3A_51 = vector.broadcast %ge3A_50 : i32 to vector<16xi32>
    %ge3A_52 = arith.cmpi sge, %get3A_49, %ge3A_51 : vector<16xi32>
    %get3A_53 = arith.constant 48 : index
    %get3A_54 = tpu.vector_load %arg6[%get3A_53] {strides = array<i32>} : memref<400xi32, #tpu.memory_space<vmem>>, vector<16xi32>,
    %get3A_55 = vector.shape_cast %get3A_54 : vector<16xi32> to vector<16xi32>
    %select_n3A_56 = arith.select %ge3A_52, %get3A_49, %get3A_55 : vector<16xi1>, vector<16xi32>
    %swap3A_57 = arith.constant 0 : i32
    %swap3A_58 = arith.index_cast %swap3A_57 : i32 to index
    %swap3A_59 = arith.constant 48 : index
    %swap3A_60 = tpu.vector_load %arg8[%swap3A_58, %swap3A_59] {strides = array<i32>} : memref<5x80xi32, #tpu.memory_space<vmem>>, vector<1x16xi32>,
    %swap3A_61 = vector.shape_cast %swap3A_60 : vector<1x16xi32> to vector<16xi32>
    %swap3A_62 = vector.shape_cast %select_n3A_56 : vector<16xi32> to vector<1x16xi32>
    tpu.vector_store %arg8[%swap3A_58, %swap3A_59], %swap3A_62 {strides = array<i32>} : memref<5x80xi32, #tpu.memory_space<vmem>>, vector<1x16xi32>,
    %get3A_63 = arith.constant 64 : index
    %get3A_64 = tpu.vector_load %arg7[%get3A_63] {strides = array<i32>} : memref<400xi32, #tpu.memory_space<vmem>>, vector<16xi32>,
    %get3A_65 = vector.shape_cast %get3A_64 : vector<16xi32> to vector<16xi32>
    %ge3A_66 = arith.constant 0 : i32
    %ge3A_67 = vector.broadcast %ge3A_66 : i32 to vector<16xi32>
    %ge3A_68 = arith.cmpi sge, %get3A_65, %ge3A_67 : vector<16xi32>
    %get3A_69 = arith.constant 64 : index
    %get3A_70 = tpu.vector_load %arg6[%get3A_69] {strides = array<i32>} : memref<400xi32, #tpu.memory_space<vmem>>, vector<16xi32>,
    %get3A_71 = vector.shape_cast %get3A_70 : vector<16xi32> to vector<16xi32>
    %select_n3A_72 = arith.select %ge3A_68, %get3A_65, %get3A_71 : vector<16xi1>, vector<16xi32>
    %swap3A_73 = arith.constant 0 : i32
    %swap3A_74 = arith.index_cast %swap3A_73 : i32 to index
    %swap3A_75 = arith.constant 64 : index
    %swap3A_76 = tpu.vector_load %arg8[%swap3A_74, %swap3A_75] {strides = array<i32>} : memref<5x80xi32, #tpu.memory_space<vmem>>, vector<1x16xi32>,
    %swap3A_77 = vector.shape_cast %swap3A_76 : vector<1x16xi32> to vector<16xi32>
    %swap3A_78 = vector.shape_cast %select_n3A_72 : vector<16xi32> to vector<1x16xi32>
    tpu.vector_store %arg8[%swap3A_74, %swap3A_75], %swap3A_78 {strides = array<i32>} : memref<5x80xi32, #tpu.memory_space<vmem>>, vector<1x16xi32>,
    %get3A_79 = arith.constant 80 : index
    %get3A_80 = tpu.vector_load %arg7[%get3A_79] {strides = array<i32>} : memref<400xi32, #tpu.memory_space<vmem>>, vector<16xi32>,
    %get3A_81 = vector.shape_cast %get3A_80 : vector<16xi32> to vector<16xi32>
    %ge3A_82 = arith.constant 0 : i32
    %ge3A_83 = vector.broadcast %ge3A_82 : i32 to vector<16xi32>
    %ge3A_84 = arith.cmpi sge, %get3A_81, %ge3A_83 : vector<16xi32>
    %get3A_85 = arith.constant 80 : index
    %get3A_86 = tpu.vector_load %arg6[%get3A_85] {strides = array<i32>} : memref<400xi32, #tpu.memory_space<vmem>>, vector<16xi32>,
    %get3A_87 = vector.shape_cast %get3A_86 : vector<16xi32> to vector<16xi32>
    %select_n3A_88 = arith.select %ge3A_84, %get3A_81, %get3A_87 : vector<16xi1>, vector<16xi32>
    %swap3A_89 = arith.constant 1 : i32
    %swap3A_90 = arith.index_cast %swap3A_89 : i32 to index
    %swap3A_91 = arith.constant 0 : index
    %swap3A_92 = tpu.vector_load %arg8[%swap3A_90, %swap3A_91] {strides = array<i32>} : memref<5x80xi32, #tpu.memory_space<vmem>>, vector<1x16xi32>,
    %swap3A_93 = vector.shape_cast %swap3A_92 : vector<1x16xi32> to vector<16xi32>
    %swap3A_94 = vector.shape_cast %select_n3A_88 : vector<16xi32> to vector<1x16xi32>
    tpu.vector_store %arg8[%swap3A_90, %swap3A_91], %swap3A_94 {strides = array<i32>} : memref<5x80xi32, #tpu.memory_space<vmem>>, vector<1x16xi32>,
    %get3A_95 = arith.constant 96 : index
    %get3A_96 = tpu.vector_load %arg7[%get3A_95] {strides = array<i32>} : memref<400xi32, #tpu.memory_space<vmem>>, vector<16xi32>,
    %get3A_97 = vector.shape_cast %get3A_96 : vector<16xi32> to vector<16xi32>
    %ge3A_98 = arith.constant 0 : i32
    %ge3A_99 = vector.broadcast %ge3A_98 : i32 to vector<16xi32>
    %ge3A_100 = arith.cmpi sge, %get3A_97, %ge3A_99 : vector<16xi32>
    %get3A_101 = arith.constant 96 : index
    %get3A_102 = tpu.vector_load %arg6[%get3A_101] {strides = array<i32>} : memref<400xi32, #tpu.memory_space<vmem>>, vector<16xi32>,
    %get3A_103 = vector.shape_cast %get3A_102 : vector<16xi32> to vector<16xi32>
    %select_n3A_104 = arith.select %ge3A_100, %get3A_97, %get3A_103 : vector<16xi1>, vector<16xi32>
    %swap3A_105 = arith.constant 1 : i32
    %swap3A_106 = arith.index_cast %swap3A_105 : i32 to index
    %swap3A_107 = arith.constant 16 : index
    %swap3A_108 = tpu.vector_load %arg8[%swap3A_106, %swap3A_107] {strides = array<i32>} : memref<5x80xi32, #tpu.memory_space<vmem>>, vector<1x16xi32>,
    %swap3A_109 = vector.shape_cast %swap3A_108 : vector<1x16xi32> to vector<16xi32>
    %swap3A_110 = vector.shape_cast %select_n3A_104 : vector<16xi32> to vector<1x16xi32>
    tpu.vector_store %arg8[%swap3A_106, %swap3A_107], %swap3A_110 {strides = array<i32>} : memref<5x80xi32, #tpu.memory_space<vmem>>, vector<1x16xi32>,
    %get3A_111 = arith.constant 112 : index
    %get3A_112 = tpu.vector_load %arg7[%get3A_111] {strides = array<i32>} : memref<400xi32, #tpu.memory_space<vmem>>, vector<16xi32>,
    %get3A_113 = vector.shape_cast %get3A_112 : vector<16xi32> to vector<16xi32>
    %ge3A_114 = arith.constant 0 : i32
    %ge3A_115 = vector.broadcast %ge3A_114 : i32 to vector<16xi32>
    %ge3A_116 = arith.cmpi sge, %get3A_113, %ge3A_115 : vector<16xi32>
    %get3A_117 = arith.constant 112 : index
    %get3A_118 = tpu.vector_load %arg6[%get3A_117] {strides = array<i32>} : memref<400xi32, #tpu.memory_space<vmem>>, vector<16xi32>,
    %get3A_119 = vector.shape_cast %get3A_118 : vector<16xi32> to vector<16xi32>
    %select_n3A_120 = arith.select %ge3A_116, %get3A_113, %get3A_119 : vector<16xi1>, vector<16xi32>
    %swap3A_121 = arith.constant 1 : i32
    %swap3A_122 = arith.index_cast %swap3A_121 : i32 to index
    %swap3A_123 = arith.constant 32 : index
    %swap3A_124 = tpu.vector_load %arg8[%swap3A_122, %swap3A_123] {strides = array<i32>} : memref<5x80xi32, #tpu.memory_space<vmem>>, vector<1x16xi32>,
    %swap3A_125 = vector.shape_cast %swap3A_124 : vector<1x16xi32> to vector<16xi32>
    %swap3A_126 = vector.shape_cast %select_n3A_120 : vector<16xi32> to vector<1x16xi32>
    tpu.vector_store %arg8[%swap3A_122, %swap3A_123], %swap3A_126 {strides = array<i32>} : memref<5x80xi32, #tpu.memory_space<vmem>>, vector<1x16xi32>,
    %get3A_127 = arith.constant 128 : index
    %get3A_128 = tpu.vector_load %arg7[%get3A_127] {strides = array<i32>} : memref<400xi32, #tpu.memory_space<vmem>>, vector<16xi32>,
    %get3A_129 = vector.shape_cast %get3A_128 : vector<16xi32> to vector<16xi32>
    %ge3A_130 = arith.constant 0 : i32
    %ge3A_131 = vector.broadcast %ge3A_130 : i32 to vector<16xi32>
    %ge3A_132 = arith.cmpi sge, %get3A_129, %ge3A_131 : vector<16xi32>
    %get3A_133 = arith.constant 128 : index
    %get3A_134 = tpu.vector_load %arg6[%get3A_133] {strides = array<i32>} : memref<400xi32, #tpu.memory_space<vmem>>, vector<16xi32>,
    %get3A_135 = vector.shape_cast %get3A_134 : vector<16xi32> to vector<16xi32>
    %select_n3A_136 = arith.select %ge3A_132, %get3A_129, %get3A_135 : vector<16xi1>, vector<16xi32>
    %swap3A_137 = arith.constant 1 : i32
    %swap3A_138 = arith.index_cast %swap3A_137 : i32 to index
    %swap3A_139 = arith.constant 48 : index
    %swap3A_140 = tpu.vector_load %arg8[%swap3A_138, %swap3A_139] {strides = array<i32>} : memref<5x80xi32, #tpu.memory_space<vmem>>, vector<1x16xi32>,
    %swap3A_141 = vector.shape_cast %swap3A_140 : vector<1x16xi32> to vector<16xi32>
    %swap3A_142 = vector.shape_cast %select_n3A_136 : vector<16xi32> to vector<1x16xi32>
    tpu.vector_store %arg8[%swap3A_138, %swap3A_139], %swap3A_142 {strides = array<i32>} : memref<5x80xi32, #tpu.memory_space<vmem>>, vector<1x16xi32>,
    %get3A_143 = arith.constant 144 : index
    %get3A_144 = tpu.vector_load %arg7[%get3A_143] {strides = array<i32>} : memref<400xi32, #tpu.memory_space<vmem>>, vector<16xi32>,
    %get3A_145 = vector.shape_cast %get3A_144 : vector<16xi32> to vector<16xi32>
    %ge3A_146 = arith.constant 0 : i32
    %ge3A_147 = vector.broadcast %ge3A_146 : i32 to vector<16xi32>
    %ge3A_148 = arith.cmpi sge, %get3A_145, %ge3A_147 : vector<16xi32>
    %get3A_149 = arith.constant 144 : index
    %get3A_150 = tpu.vector_load %arg6[%get3A_149] {strides = array<i32>} : memref<400xi32, #tpu.memory_space<vmem>>, vector<16xi32>,
    %get3A_151 = vector.shape_cast %get3A_150 : vector<16xi32> to vector<16xi32>
    %select_n3A_152 = arith.select %ge3A_148, %get3A_145, %get3A_151 : vector<16xi1>, vector<16xi32>
    %swap3A_153 = arith.constant 1 : i32
    %swap3A_154 = arith.index_cast %swap3A_153 : i32 to index
    %swap3A_155 = arith.constant 64 : index
    %swap3A_156 = tpu.vector_load %arg8[%swap3A_154, %swap3A_155] {strides = array<i32>} : memref<5x80xi32, #tpu.memory_space<vmem>>, vector<1x16xi32>,
    %swap3A_157 = vector.shape_cast %swap3A_156 : vector<1x16xi32> to vector<16xi32>
    %swap3A_158 = vector.shape_cast %select_n3A_152 : vector<16xi32> to vector<1x16xi32>
    tpu.vector_store %arg8[%swap3A_154, %swap3A_155], %swap3A_158 {strides = array<i32>} : memref<5x80xi32, #tpu.memory_space<vmem>>, vector<1x16xi32>,
    %get3A_159 = arith.constant 160 : index
    %get3A_160 = tpu.vector_load %arg7[%get3A_159] {strides = array<i32>} : memref<400xi32, #tpu.memory_space<vmem>>, vector<16xi32>,
    %get3A_161 = vector.shape_cast %get3A_160 : vector<16xi32> to vector<16xi32>
    %ge3A_162 = arith.constant 0 : i32
    %ge3A_163 = vector.broadcast %ge3A_162 : i32 to vector<16xi32>
    %ge3A_164 = arith.cmpi sge, %get3A_161, %ge3A_163 : vector<16xi32>
    %get3A_165 = arith.constant 160 : index
    %get3A_166 = tpu.vector_load %arg6[%get3A_165] {strides = array<i32>} : memref<400xi32, #tpu.memory_space<vmem>>, vector<16xi32>,
    %get3A_167 = vector.shape_cast %get3A_166 : vector<16xi32> to vector<16xi32>
    %select_n3A_168 = arith.select %ge3A_164, %get3A_161, %get3A_167 : vector<16xi1>, vector<16xi32>
    %swap3A_169 = arith.constant 2 : i32
    %swap3A_170 = arith.index_cast %swap3A_169 : i32 to index
    %swap3A_171 = arith.constant 0 : index
    %swap3A_172 = tpu.vector_load %arg8[%swap3A_170, %swap3A_171] {strides = array<i32>} : memref<5x80xi32, #tpu.memory_space<vmem>>, vector<1x16xi32>,
    %swap3A_173 = vector.shape_cast %swap3A_172 : vector<1x16xi32> to vector<16xi32>
    %swap3A_174 = vector.shape_cast %select_n3A_168 : vector<16xi32> to vector<1x16xi32>
    tpu.vector_store %arg8[%swap3A_170, %swap3A_171], %swap3A_174 {strides = array<i32>} : memref<5x80xi32, #tpu.memory_space<vmem>>, vector<1x16xi32>,
    %get3A_175 = arith.constant 176 : index
    %get3A_176 = tpu.vector_load %arg7[%get3A_175] {strides = array<i32>} : memref<400xi32, #tpu.memory_space<vmem>>, vector<16xi32>,
    %get3A_177 = vector.shape_cast %get3A_176 : vector<16xi32> to vector<16xi32>
    %ge3A_178 = arith.constant 0 : i32
    %ge3A_179 = vector.broadcast %ge3A_178 : i32 to vector<16xi32>
    %ge3A_180 = arith.cmpi sge, %get3A_177, %ge3A_179 : vector<16xi32>
    %get3A_181 = arith.constant 176 : index
    %get3A_182 = tpu.vector_load %arg6[%get3A_181] {strides = array<i32>} : memref<400xi32, #tpu.memory_space<vmem>>, vector<16xi32>,
    %get3A_183 = vector.shape_cast %get3A_182 : vector<16xi32> to vector<16xi32>
    %select_n3A_184 = arith.select %ge3A_180, %get3A_177, %get3A_183 : vector<16xi1>, vector<16xi32>
    %swap3A_185 = arith.constant 2 : i32
    %swap3A_186 = arith.index_cast %swap3A_185 : i32 to index
    %swap3A_187 = arith.constant 16 : index
    %swap3A_188 = tpu.vector_load %arg8[%swap3A_186, %swap3A_187] {strides = array<i32>} : memref<5x80xi32, #tpu.memory_space<vmem>>, vector<1x16xi32>,
    %swap3A_189 = vector.shape_cast %swap3A_188 : vector<1x16xi32> to vector<16xi32>
    %swap3A_190 = vector.shape_cast %select_n3A_184 : vector<16xi32> to vector<1x16xi32>
    tpu.vector_store %arg8[%swap3A_186, %swap3A_187], %swap3A_190 {strides = array<i32>} : memref<5x80xi32, #tpu.memory_space<vmem>>, vector<1x16xi32>,
    %get3A_191 = arith.constant 192 : index
    %get3A_192 = tpu.vector_load %arg7[%get3A_191] {strides = array<i32>} : memref<400xi32, #tpu.memory_space<vmem>>, vector<16xi32>,
    %get3A_193 = vector.shape_cast %get3A_192 : vector<16xi32> to vector<16xi32>
    %ge3A_194 = arith.constant 0 : i32
    %ge3A_195 = vector.broadcast %ge3A_194 : i32 to vector<16xi32>
    %ge3A_196 = arith.cmpi sge, %get3A_193, %ge3A_195 : vector<16xi32>
    %get3A_197 = arith.constant 192 : index
    %get3A_198 = tpu.vector_load %arg6[%get3A_197] {strides = array<i32>} : memref<400xi32, #tpu.memory_space<vmem>>, vector<16xi32>,
    %get3A_199 = vector.shape_cast %get3A_198 : vector<16xi32> to vector<16xi32>
    %select_n3A_200 = arith.select %ge3A_196, %get3A_193, %get3A_199 : vector<16xi1>, vector<16xi32>
    %swap3A_201 = arith.constant 2 : i32
    %swap3A_202 = arith.index_cast %swap3A_201 : i32 to index
    %swap3A_203 = arith.constant 32 : index
    %swap3A_204 = tpu.vector_load %arg8[%swap3A_202, %swap3A_203] {strides = array<i32>} : memref<5x80xi32, #tpu.memory_space<vmem>>, vector<1x16xi32>,
    %swap3A_205 = vector.shape_cast %swap3A_204 : vector<1x16xi32> to vector<16xi32>
    %swap3A_206 = vector.shape_cast %select_n3A_200 : vector<16xi32> to vector<1x16xi32>
    tpu.vector_store %arg8[%swap3A_202, %swap3A_203], %swap3A_206 {strides = array<i32>} : memref<5x80xi32, #tpu.memory_space<vmem>>, vector<1x16xi32>,
    %get3A_207 = arith.constant 208 : index
    %get3A_208 = tpu.vector_load %arg7[%get3A_207] {strides = array<i32>} : memref<400xi32, #tpu.memory_space<vmem>>, vector<16xi32>,
    %get3A_209 = vector.shape_cast %get3A_208 : vector<16xi32> to vector<16xi32>
    %ge3A_210 = arith.constant 0 : i32
    %ge3A_211 = vector.broadcast %ge3A_210 : i32 to vector<16xi32>
    %ge3A_212 = arith.cmpi sge, %get3A_209, %ge3A_211 : vector<16xi32>
    %get3A_213 = arith.constant 208 : index
    %get3A_214 = tpu.vector_load %arg6[%get3A_213] {strides = array<i32>} : memref<400xi32, #tpu.memory_space<vmem>>, vector<16xi32>,
    %get3A_215 = vector.shape_cast %get3A_214 : vector<16xi32> to vector<16xi32>
    %select_n3A_216 = arith.select %ge3A_212, %get3A_209, %get3A_215 : vector<16xi1>, vector<16xi32>
    %swap3A_217 = arith.constant 2 : i32
    %swap3A_218 = arith.index_cast %swap3A_217 : i32 to index
    %swap3A_219 = arith.constant 48 : index
    %swap3A_220 = tpu.vector_load %arg8[%swap3A_218, %swap3A_219] {strides = array<i32>} : memref<5x80xi32, #tpu.memory_space<vmem>>, vector<1x16xi32>,
    %swap3A_221 = vector.shape_cast %swap3A_220 : vector<1x16xi32> to vector<16xi32>
    %swap3A_222 = vector.shape_cast %select_n3A_216 : vector<16xi32> to vector<1x16xi32>
    tpu.vector_store %arg8[%swap3A_218, %swap3A_219], %swap3A_222 {strides = array<i32>} : memref<5x80xi32, #tpu.memory_space<vmem>>, vector<1x16xi32>,
    %get3A_223 = arith.constant 224 : index
    %get3A_224 = tpu.vector_load %arg7[%get3A_223] {strides = array<i32>} : memref<400xi32, #tpu.memory_space<vmem>>, vector<16xi32>,
    %get3A_225 = vector.shape_cast %get3A_224 : vector<16xi32> to vector<16xi32>
    %ge3A_226 = arith.constant 0 : i32
    %ge3A_227 = vector.broadcast %ge3A_226 : i32 to vector<16xi32>
    %ge3A_228 = arith.cmpi sge, %get3A_225, %ge3A_227 : vector<16xi32>
    %get3A_229 = arith.constant 224 : index
    %get3A_230 = tpu.vector_load %arg6[%get3A_229] {strides = array<i32>} : memref<400xi32, #tpu.memory_space<vmem>>, vector<16xi32>,
    %get3A_231 = vector.shape_cast %get3A_230 : vector<16xi32> to vector<16xi32>
    %select_n3A_232 = arith.select %ge3A_228, %get3A_225, %get3A_231 : vector<16xi1>, vector<16xi32>
    %swap3A_233 = arith.constant 2 : i32
    %swap3A_234 = arith.index_cast %swap3A_233 : i32 to index
    %swap3A_235 = arith.constant 64 : index
    %swap3A_236 = tpu.vector_load %arg8[%swap3A_234, %swap3A_235] {strides = array<i32>} : memref<5x80xi32, #tpu.memory_space<vmem>>, vector<1x16xi32>,
    %swap3A_237 = vector.shape_cast %swap3A_236 : vector<1x16xi32> to vector<16xi32>
    %swap3A_238 = vector.shape_cast %select_n3A_232 : vector<16xi32> to vector<1x16xi32>
    tpu.vector_store %arg8[%swap3A_234, %swap3A_235], %swap3A_238 {strides = array<i32>} : memref<5x80xi32, #tpu.memory_space<vmem>>, vector<1x16xi32>,
    %get3A_239 = arith.constant 240 : index
    %get3A_240 = tpu.vector_load %arg7[%get3A_239] {strides = array<i32>} : memref<400xi32, #tpu.memory_space<vmem>>, vector<16xi32>,
    %get3A_241 = vector.shape_cast %get3A_240 : vector<16xi32> to vector<16xi32>
    %ge3A_242 = arith.constant 0 : i32
    %ge3A_243 = vector.broadcast %ge3A_242 : i32 to vector<16xi32>
    %ge3A_244 = arith.cmpi sge, %get3A_241, %ge3A_243 : vector<16xi32>
    %get3A_245 = arith.constant 240 : index
    %get3A_246 = tpu.vector_load %arg6[%get3A_245] {strides = array<i32>} : memref<400xi32, #tpu.memory_space<vmem>>, vector<16xi32>,
    %get3A_247 = vector.shape_cast %get3A_246 : vector<16xi32> to vector<16xi32>
    %select_n3A_248 = arith.select %ge3A_244, %get3A_241, %get3A_247 : vector<16xi1>, vector<16xi32>
    %swap3A_249 = arith.constant 3 : i32
    %swap3A_250 = arith.index_cast %swap3A_249 : i32 to index
    %swap3A_251 = arith.constant 0 : index
    %swap3A_252 = tpu.vector_load %arg8[%swap3A_250, %swap3A_251] {strides = array<i32>} : memref<5x80xi32, #tpu.memory_space<vmem>>, vector<1x16xi32>,
    %swap3A_253 = vector.shape_cast %swap3A_252 : vector<1x16xi32> to vector<16xi32>
    %swap3A_254 = vector.shape_cast %select_n3A_248 : vector<16xi32> to vector<1x16xi32>
    tpu.vector_store %arg8[%swap3A_250, %swap3A_251], %swap3A_254 {strides = array<i32>} : memref<5x80xi32, #tpu.memory_space<vmem>>, vector<1x16xi32>,
    %get3A_255 = arith.constant 256 : index
    %get3A_256 = tpu.vector_load %arg7[%get3A_255] {strides = array<i32>} : memref<400xi32, #tpu.memory_space<vmem>>, vector<16xi32>,
    %get3A_257 = vector.shape_cast %get3A_256 : vector<16xi32> to vector<16xi32>
    %ge3A_258 = arith.constant 0 : i32
    %ge3A_259 = vector.broadcast %ge3A_258 : i32 to vector<16xi32>
    %ge3A_260 = arith.cmpi sge, %get3A_257, %ge3A_259 : vector<16xi32>
    %get3A_261 = arith.constant 256 : index
    %get3A_262 = tpu.vector_load %arg6[%get3A_261] {strides = array<i32>} : memref<400xi32, #tpu.memory_space<vmem>>, vector<16xi32>,
    %get3A_263 = vector.shape_cast %get3A_262 : vector<16xi32> to vector<16xi32>
    %select_n3A_264 = arith.select %ge3A_260, %get3A_257, %get3A_263 : vector<16xi1>, vector<16xi32>
    %swap3A_265 = arith.constant 3 : i32
    %swap3A_266 = arith.index_cast %swap3A_265 : i32 to index
    %swap3A_267 = arith.constant 16 : index
    %swap3A_268 = tpu.vector_load %arg8[%swap3A_266, %swap3A_267] {strides = array<i32>} : memref<5x80xi32, #tpu.memory_space<vmem>>, vector<1x16xi32>,
    %swap3A_269 = vector.shape_cast %swap3A_268 : vector<1x16xi32> to vector<16xi32>
    %swap3A_270 = vector.shape_cast %select_n3A_264 : vector<16xi32> to vector<1x16xi32>
    tpu.vector_store %arg8[%swap3A_266, %swap3A_267], %swap3A_270 {strides = array<i32>} : memref<5x80xi32, #tpu.memory_space<vmem>>, vector<1x16xi32>,
    %get3A_271 = arith.constant 272 : index
    %get3A_272 = tpu.vector_load %arg7[%get3A_271] {strides = array<i32>} : memref<400xi32, #tpu.memory_space<vmem>>, vector<16xi32>,
    %get3A_273 = vector.shape_cast %get3A_272 : vector<16xi32> to vector<16xi32>
    %ge3A_274 = arith.constant 0 : i32
    %ge3A_275 = vector.broadcast %ge3A_274 : i32 to vector<16xi32>
    %ge3A_276 = arith.cmpi sge, %get3A_273, %ge3A_275 : vector<16xi32>
    %get3A_277 = arith.constant 272 : index
    %get3A_278 = tpu.vector_load %arg6[%get3A_277] {strides = array<i32>} : memref<400xi32, #tpu.memory_space<vmem>>, vector<16xi32>,
    %get3A_279 = vector.shape_cast %get3A_278 : vector<16xi32> to vector<16xi32>
    %select_n3A_280 = arith.select %ge3A_276, %get3A_273, %get3A_279 : vector<16xi1>, vector<16xi32>
    %swap3A_281 = arith.constant 3 : i32
    %swap3A_282 = arith.index_cast %swap3A_281 : i32 to index
    %swap3A_283 = arith.constant 32 : index
    %swap3A_284 = tpu.vector_load %arg8[%swap3A_282, %swap3A_283] {strides = array<i32>} : memref<5x80xi32, #tpu.memory_space<vmem>>, vector<1x16xi32>,
    %swap3A_285 = vector.shape_cast %swap3A_284 : vector<1x16xi32> to vector<16xi32>
    %swap3A_286 = vector.shape_cast %select_n3A_280 : vector<16xi32> to vector<1x16xi32>
    tpu.vector_store %arg8[%swap3A_282, %swap3A_283], %swap3A_286 {strides = array<i32>} : memref<5x80xi32, #tpu.memory_space<vmem>>, vector<1x16xi32>,
    %get3A_287 = arith.constant 288 : index
    %get3A_288 = tpu.vector_load %arg7[%get3A_287] {strides = array<i32>} : memref<400xi32, #tpu.memory_space<vmem>>, vector<16xi32>,
    %get3A_289 = vector.shape_cast %get3A_288 : vector<16xi32> to vector<16xi32>
    %ge3A_290 = arith.constant 0 : i32
    %ge3A_291 = vector.broadcast %ge3A_290 : i32 to vector<16xi32>
    %ge3A_292 = arith.cmpi sge, %get3A_289, %ge3A_291 : vector<16xi32>
    %get3A_293 = arith.constant 288 : index
    %get3A_294 = tpu.vector_load %arg6[%get3A_293] {strides = array<i32>} : memref<400xi32, #tpu.memory_space<vmem>>, vector<16xi32>,
    %get3A_295 = vector.shape_cast %get3A_294 : vector<16xi32> to vector<16xi32>
    %select_n3A_296 = arith.select %ge3A_292, %get3A_289, %get3A_295 : vector<16xi1>, vector<16xi32>
    %swap3A_297 = arith.constant 3 : i32
    %swap3A_298 = arith.index_cast %swap3A_297 : i32 to index
    %swap3A_299 = arith.constant 48 : index
    %swap3A_300 = tpu.vector_load %arg8[%swap3A_298, %swap3A_299] {strides = array<i32>} : memref<5x80xi32, #tpu.memory_space<vmem>>, vector<1x16xi32>,
    %swap3A_301 = vector.shape_cast %swap3A_300 : vector<1x16xi32> to vector<16xi32>
    %swap3A_302 = vector.shape_cast %select_n3A_296 : vector<16xi32> to vector<1x16xi32>
    tpu.vector_store %arg8[%swap3A_298, %swap3A_299], %swap3A_302 {strides = array<i32>} : memref<5x80xi32, #tpu.memory_space<vmem>>, vector<1x16xi32>,
    %get3A_303 = arith.constant 304 : index
    %get3A_304 = tpu.vector_load %arg7[%get3A_303] {strides = array<i32>} : memref<400xi32, #tpu.memory_space<vmem>>, vector<16xi32>,
    %get3A_305 = vector.shape_cast %get3A_304 : vector<16xi32> to vector<16xi32>
    %ge3A_306 = arith.constant 0 : i32
    %ge3A_307 = vector.broadcast %ge3A_306 : i32 to vector<16xi32>
    %ge3A_308 = arith.cmpi sge, %get3A_305, %ge3A_307 : vector<16xi32>
    %get3A_309 = arith.constant 304 : index
    %get3A_310 = tpu.vector_load %arg6[%get3A_309] {strides = array<i32>} : memref<400xi32, #tpu.memory_space<vmem>>, vector<16xi32>,
    %get3A_311 = vector.shape_cast %get3A_310 : vector<16xi32> to vector<16xi32>
    %select_n3A_312 = arith.select %ge3A_308, %get3A_305, %get3A_311 : vector<16xi1>, vector<16xi32>
    %swap3A_313 = arith.constant 3 : i32
    %swap3A_314 = arith.index_cast %swap3A_313 : i32 to index
    %swap3A_315 = arith.constant 64 : index
    %swap3A_316 = tpu.vector_load %arg8[%swap3A_314, %swap3A_315] {strides = array<i32>} : memref<5x80xi32, #tpu.memory_space<vmem>>, vector<1x16xi32>,
    %swap3A_317 = vector.shape_cast %swap3A_316 : vector<1x16xi32> to vector<16xi32>
    %swap3A_318 = vector.shape_cast %select_n3A_312 : vector<16xi32> to vector<1x16xi32>
    tpu.vector_store %arg8[%swap3A_314, %swap3A_315], %swap3A_318 {strides = array<i32>} : memref<5x80xi32, #tpu.memory_space<vmem>>, vector<1x16xi32>,
    %get3A_319 = arith.constant 320 : index
    %get3A_320 = tpu.vector_load %arg7[%get3A_319] {strides = array<i32>} : memref<400xi32, #tpu.memory_space<vmem>>, vector<16xi32>,
    %get3A_321 = vector.shape_cast %get3A_320 : vector<16xi32> to vector<16xi32>
    %ge3A_322 = arith.constant 0 : i32
    %ge3A_323 = vector.broadcast %ge3A_322 : i32 to vector<16xi32>
    %ge3A_324 = arith.cmpi sge, %get3A_321, %ge3A_323 : vector<16xi32>
    %get3A_325 = arith.constant 320 : index
    %get3A_326 = tpu.vector_load %arg6[%get3A_325] {strides = array<i32>} : memref<400xi32, #tpu.memory_space<vmem>>, vector<16xi32>,
    %get3A_327 = vector.shape_cast %get3A_326 : vector<16xi32> to vector<16xi32>
    %select_n3A_328 = arith.select %ge3A_324, %get3A_321, %get3A_327 : vector<16xi1>, vector<16xi32>
    %swap3A_329 = arith.constant 4 : i32
    %swap3A_330 = arith.index_cast %swap3A_329 : i32 to index
    %swap3A_331 = arith.constant 0 : index
    %swap3A_332 = tpu.vector_load %arg8[%swap3A_330, %swap3A_331] {strides = array<i32>} : memref<5x80xi32, #tpu.memory_space<vmem>>, vector<1x16xi32>,
    %swap3A_333 = vector.shape_cast %swap3A_332 : vector<1x16xi32> to vector<16xi32>
    %swap3A_334 = vector.shape_cast %select_n3A_328 : vector<16xi32> to vector<1x16xi32>
    tpu.vector_store %arg8[%swap3A_330, %swap3A_331], %swap3A_334 {strides = array<i32>} : memref<5x80xi32, #tpu.memory_space<vmem>>, vector<1x16xi32>,
    %get3A_335 = arith.constant 336 : index
    %get3A_336 = tpu.vector_load %arg7[%get3A_335] {strides = array<i32>} : memref<400xi32, #tpu.memory_space<vmem>>, vector<16xi32>,
    %get3A_337 = vector.shape_cast %get3A_336 : vector<16xi32> to vector<16xi32>
    %ge3A_338 = arith.constant 0 : i32
    %ge3A_339 = vector.broadcast %ge3A_338 : i32 to vector<16xi32>
    %ge3A_340 = arith.cmpi sge, %get3A_337, %ge3A_339 : vector<16xi32>
    %get3A_341 = arith.constant 336 : index
    %get3A_342 = tpu.vector_load %arg6[%get3A_341] {strides = array<i32>} : memref<400xi32, #tpu.memory_space<vmem>>, vector<16xi32>,
    %get3A_343 = vector.shape_cast %get3A_342 : vector<16xi32> to vector<16xi32>
    %select_n3A_344 = arith.select %ge3A_340, %get3A_337, %get3A_343 : vector<16xi1>, vector<16xi32>
    %swap3A_345 = arith.constant 4 : i32
    %swap3A_346 = arith.index_cast %swap3A_345 : i32 to index
    %swap3A_347 = arith.constant 16 : index
    %swap3A_348 = tpu.vector_load %arg8[%swap3A_346, %swap3A_347] {strides = array<i32>} : memref<5x80xi32, #tpu.memory_space<vmem>>, vector<1x16xi32>,
    %swap3A_349 = vector.shape_cast %swap3A_348 : vector<1x16xi32> to vector<16xi32>
    %swap3A_350 = vector.shape_cast %select_n3A_344 : vector<16xi32> to vector<1x16xi32>
    tpu.vector_store %arg8[%swap3A_346, %swap3A_347], %swap3A_350 {strides = array<i32>} : memref<5x80xi32, #tpu.memory_space<vmem>>, vector<1x16xi32>,
    %get3A_351 = arith.constant 352 : index
    %get3A_352 = tpu.vector_load %arg7[%get3A_351] {strides = array<i32>} : memref<400xi32, #tpu.memory_space<vmem>>, vector<16xi32>,
    %get3A_353 = vector.shape_cast %get3A_352 : vector<16xi32> to vector<16xi32>
    %ge3A_354 = arith.constant 0 : i32
    %ge3A_355 = vector.broadcast %ge3A_354 : i32 to vector<16xi32>
    %ge3A_356 = arith.cmpi sge, %get3A_353, %ge3A_355 : vector<16xi32>
    %get3A_357 = arith.constant 352 : index
    %get3A_358 = tpu.vector_load %arg6[%get3A_357] {strides = array<i32>} : memref<400xi32, #tpu.memory_space<vmem>>, vector<16xi32>,
    %get3A_359 = vector.shape_cast %get3A_358 : vector<16xi32> to vector<16xi32>
    %select_n3A_360 = arith.select %ge3A_356, %get3A_353, %get3A_359 : vector<16xi1>, vector<16xi32>
    %swap3A_361 = arith.constant 4 : i32
    %swap3A_362 = arith.index_cast %swap3A_361 : i32 to index
    %swap3A_363 = arith.constant 32 : index
    %swap3A_364 = tpu.vector_load %arg8[%swap3A_362, %swap3A_363] {strides = array<i32>} : memref<5x80xi32, #tpu.memory_space<vmem>>, vector<1x16xi32>,
    %swap3A_365 = vector.shape_cast %swap3A_364 : vector<1x16xi32> to vector<16xi32>
    %swap3A_366 = vector.shape_cast %select_n3A_360 : vector<16xi32> to vector<1x16xi32>
    tpu.vector_store %arg8[%swap3A_362, %swap3A_363], %swap3A_366 {strides = array<i32>} : memref<5x80xi32, #tpu.memory_space<vmem>>, vector<1x16xi32>,
    %get3A_367 = arith.constant 368 : index
    %get3A_368 = tpu.vector_load %arg7[%get3A_367] {strides = array<i32>} : memref<400xi32, #tpu.memory_space<vmem>>, vector<16xi32>,
    %get3A_369 = vector.shape_cast %get3A_368 : vector<16xi32> to vector<16xi32>
    %ge3A_370 = arith.constant 0 : i32
    %ge3A_371 = vector.broadcast %ge3A_370 : i32 to vector<16xi32>
    %ge3A_372 = arith.cmpi sge, %get3A_369, %ge3A_371 : vector<16xi32>
    %get3A_373 = arith.constant 368 : index
    %get3A_374 = tpu.vector_load %arg6[%get3A_373] {strides = array<i32>} : memref<400xi32, #tpu.memory_space<vmem>>, vector<16xi32>,
    %get3A_375 = vector.shape_cast %get3A_374 : vector<16xi32> to vector<16xi32>
    %select_n3A_376 = arith.select %ge3A_372, %get3A_369, %get3A_375 : vector<16xi1>, vector<16xi32>
    %swap3A_377 = arith.constant 4 : i32
    %swap3A_378 = arith.index_cast %swap3A_377 : i32 to index
    %swap3A_379 = arith.constant 48 : index
    %swap3A_380 = tpu.vector_load %arg8[%swap3A_378, %swap3A_379] {strides = array<i32>} : memref<5x80xi32, #tpu.memory_space<vmem>>, vector<1x16xi32>,
    %swap3A_381 = vector.shape_cast %swap3A_380 : vector<1x16xi32> to vector<16xi32>
    %swap3A_382 = vector.shape_cast %select_n3A_376 : vector<16xi32> to vector<1x16xi32>
    tpu.vector_store %arg8[%swap3A_378, %swap3A_379], %swap3A_382 {strides = array<i32>} : memref<5x80xi32, #tpu.memory_space<vmem>>, vector<1x16xi32>,
    %get3A_383 = arith.constant 384 : index
    %get3A_384 = tpu.vector_load %arg7[%get3A_383] {strides = array<i32>} : memref<400xi32, #tpu.memory_space<vmem>>, vector<16xi32>,
    %get3A_385 = vector.shape_cast %get3A_384 : vector<16xi32> to vector<16xi32>
    %ge3A_386 = arith.constant 0 : i32
    %ge3A_387 = vector.broadcast %ge3A_386 : i32 to vector<16xi32>
    %ge3A_388 = arith.cmpi sge, %get3A_385, %ge3A_387 : vector<16xi32>
    %get3A_389 = arith.constant 384 : index
    %get3A_390 = tpu.vector_load %arg6[%get3A_389] {strides = array<i32>} : memref<400xi32, #tpu.memory_space<vmem>>, vector<16xi32>,
    %get3A_391 = vector.shape_cast %get3A_390 : vector<16xi32> to vector<16xi32>
    %select_n3A_392 = arith.select %ge3A_388, %get3A_385, %get3A_391 : vector<16xi1>, vector<16xi32>
    %swap3A_393 = arith.constant 4 : i32
    %swap3A_394 = arith.index_cast %swap3A_393 : i32 to index
    %swap3A_395 = arith.constant 64 : index
    %swap3A_396 = tpu.vector_load %arg8[%swap3A_394, %swap3A_395] {strides = array<i32>} : memref<5x80xi32, #tpu.memory_space<vmem>>, vector<1x16xi32>,
    %swap3A_397 = vector.shape_cast %swap3A_396 : vector<1x16xi32> to vector<16xi32>
    %swap3A_398 = vector.shape_cast %select_n3A_392 : vector<16xi32> to vector<1x16xi32>
    tpu.vector_store %arg8[%swap3A_394, %swap3A_395], %swap3A_398 {strides = array<i32>} : memref<5x80xi32, #tpu.memory_space<vmem>>, vector<1x16xi32>,
    %dma_start3A = arith.constant 0 : i32
    %dma_start3A_399 = arith.constant 0 : i32
    %dma_start3A_400 = arith.constant 0 : i32
    %dma_start3A_401 = tpu.memref_slice %arg9[%dma_start3A_399, %dma_start3A_400] : memref<400x256xf32, #tpu.memory_space<vmem>> -> memref<80x256xf32, #tpu.memory_space<vmem>>
    %dma_start3A_402 = arith.constant 0 : i32
    %dma_start3A_403 = tpu.memref_slice %arg8[%dma_start3A, %dma_start3A_402] : memref<5x80xi32, #tpu.memory_space<vmem>> -> memref<1x80xi32, #tpu.memory_space<vmem>>
    %dma_start3A_404 = tpu.memref_squeeze %dma_start3A_403 : memref<1x80xi32, #tpu.memory_space<vmem>> -> memref<80xi32, #tpu.memory_space<vmem>>
    %dma_start3A_405 = arith.constant 0 : i32
    %dma_start3A_406 = arith.constant 0 : i32
    %dma_start3A_407 = tpu.memref_slice %arg4[%dma_start3A_405, %dma_start3A_406] : memref<91x256xf32, #tpu.memory_space<hbm>> -> memref<91x256xf32, #tpu.memory_space<hbm>>
    tpu.enqueue_indirect_dma source(%dma_start3A_407 : memref<91x256xf32, #tpu.memory_space<hbm>>) target(%dma_start3A_401 : memref<80x256xf32, #tpu.memory_space<vmem>>) offsets(%dma_start3A_404 : memref<80xi32, #tpu.memory_space<vmem>>) semaphore(%arg10 : memref<!tpu.dma_semaphore, #tpu.memory_space<semaphore_mem>>)
    %dma_start3A_408 = arith.constant 1 : i32
    %dma_start3A_409 = arith.constant 80 : i32
    %dma_start3A_410 = arith.constant 0 : i32
    %dma_start3A_411 = tpu.memref_slice %arg9[%dma_start3A_409, %dma_start3A_410] : memref<400x256xf32, #tpu.memory_space<vmem>> -> memref<80x256xf32, #tpu.memory_space<vmem>>
    %dma_start3A_412 = arith.constant 0 : i32
    %dma_start3A_413 = tpu.memref_slice %arg8[%dma_start3A_408, %dma_start3A_412] : memref<5x80xi32, #tpu.memory_space<vmem>> -> memref<1x80xi32, #tpu.memory_space<vmem>>
    %dma_start3A_414 = tpu.memref_squeeze %dma_start3A_413 : memref<1x80xi32, #tpu.memory_space<vmem>> -> memref<80xi32, #tpu.memory_space<vmem>>
    %dma_start3A_415 = arith.constant 0 : i32
    %dma_start3A_416 = arith.constant 0 : i32
    %dma_start3A_417 = tpu.memref_slice %arg4[%dma_start3A_415, %dma_start3A_416] : memref<91x256xf32, #tpu.memory_space<hbm>> -> memref<91x256xf32, #tpu.memory_space<hbm>>
    tpu.enqueue_indirect_dma source(%dma_start3A_417 : memref<91x256xf32, #tpu.memory_space<hbm>>) target(%dma_start3A_411 : memref<80x256xf32, #tpu.memory_space<vmem>>) offsets(%dma_start3A_414 : memref<80xi32, #tpu.memory_space<vmem>>) semaphore(%arg10 : memref<!tpu.dma_semaphore, #tpu.memory_space<semaphore_mem>>)
    %dma_start3A_418 = arith.constant 2 : i32
    %dma_start3A_419 = arith.constant 160 : i32
    %dma_start3A_420 = arith.constant 0 : i32
    %dma_start3A_421 = tpu.memref_slice %arg9[%dma_start3A_419, %dma_start3A_420] : memref<400x256xf32, #tpu.memory_space<vmem>> -> memref<80x256xf32, #tpu.memory_space<vmem>>
    %dma_start3A_422 = arith.constant 0 : i32
    %dma_start3A_423 = tpu.memref_slice %arg8[%dma_start3A_418, %dma_start3A_422] : memref<5x80xi32, #tpu.memory_space<vmem>> -> memref<1x80xi32, #tpu.memory_space<vmem>>
    %dma_start3A_424 = tpu.memref_squeeze %dma_start3A_423 : memref<1x80xi32, #tpu.memory_space<vmem>> -> memref<80xi32, #tpu.memory_space<vmem>>
    %dma_start3A_425 = arith.constant 0 : i32
    %dma_start3A_426 = arith.constant 0 : i32
    %dma_start3A_427 = tpu.memref_slice %arg4[%dma_start3A_425, %dma_start3A_426] : memref<91x256xf32, #tpu.memory_space<hbm>> -> memref<91x256xf32, #tpu.memory_space<hbm>>
    tpu.enqueue_indirect_dma source(%dma_start3A_427 : memref<91x256xf32, #tpu.memory_space<hbm>>) target(%dma_start3A_421 : memref<80x256xf32, #tpu.memory_space<vmem>>) offsets(%dma_start3A_424 : memref<80xi32, #tpu.memory_space<vmem>>) semaphore(%arg10 : memref<!tpu.dma_semaphore, #tpu.memory_space<semaphore_mem>>)
    %dma_start3A_428 = arith.constant 3 : i32
    %dma_start3A_429 = arith.constant 240 : i32
    %dma_start3A_430 = arith.constant 0 : i32
    %dma_start3A_431 = tpu.memref_slice %arg9[%dma_start3A_429, %dma_start3A_430] : memref<400x256xf32, #tpu.memory_space<vmem>> -> memref<80x256xf32, #tpu.memory_space<vmem>>
    %dma_start3A_432 = arith.constant 0 : i32
    %dma_start3A_433 = tpu.memref_slice %arg8[%dma_start3A_428, %dma_start3A_432] : memref<5x80xi32, #tpu.memory_space<vmem>> -> memref<1x80xi32, #tpu.memory_space<vmem>>
    %dma_start3A_434 = tpu.memref_squeeze %dma_start3A_433 : memref<1x80xi32, #tpu.memory_space<vmem>> -> memref<80xi32, #tpu.memory_space<vmem>>
    %dma_start3A_435 = arith.constant 0 : i32
    %dma_start3A_436 = arith.constant 0 : i32
    %dma_start3A_437 = tpu.memref_slice %arg4[%dma_start3A_435, %dma_start3A_436] : memref<91x256xf32, #tpu.memory_space<hbm>> -> memref<91x256xf32, #tpu.memory_space<hbm>>
    tpu.enqueue_indirect_dma source(%dma_start3A_437 : memref<91x256xf32, #tpu.memory_space<hbm>>) target(%dma_start3A_431 : memref<80x256xf32, #tpu.memory_space<vmem>>) offsets(%dma_start3A_434 : memref<80xi32, #tpu.memory_space<vmem>>) semaphore(%arg10 : memref<!tpu.dma_semaphore, #tpu.memory_space<semaphore_mem>>)
    %dma_start3A_438 = arith.constant 4 : i32
    %dma_start3A_439 = arith.constant 320 : i32
    %dma_start3A_440 = arith.constant 0 : i32
    %dma_start3A_441 = tpu.memref_slice %arg9[%dma_start3A_439, %dma_start3A_440] : memref<400x256xf32, #tpu.memory_space<vmem>> -> memref<80x256xf32, #tpu.memory_space<vmem>>
    %dma_start3A_442 = arith.constant 0 : i32
    %dma_start3A_443 = tpu.memref_slice %arg8[%dma_start3A_438, %dma_start3A_442] : memref<5x80xi32, #tpu.memory_space<vmem>> -> memref<1x80xi32, #tpu.memory_space<vmem>>
    %dma_start3A_444 = tpu.memref_squeeze %dma_start3A_443 : memref<1x80xi32, #tpu.memory_space<vmem>> -> memref<80xi32, #tpu.memory_space<vmem>>
    %dma_start3A_445 = arith.constant 0 : i32
    %dma_start3A_446 = arith.constant 0 : i32
    %dma_start3A_447 = tpu.memref_slice %arg4[%dma_start3A_445, %dma_start3A_446] : memref<91x256xf32, #tpu.memory_space<hbm>> -> memref<91x256xf32, #tpu.memory_space<hbm>>
    tpu.enqueue_indirect_dma source(%dma_start3A_447 : memref<91x256xf32, #tpu.memory_space<hbm>>) target(%dma_start3A_441 : memref<80x256xf32, #tpu.memory_space<vmem>>) offsets(%dma_start3A_444 : memref<80xi32, #tpu.memory_space<vmem>>) semaphore(%arg10 : memref<!tpu.dma_semaphore, #tpu.memory_space<semaphore_mem>>)
    %dma_wait3A = arith.constant 0 : i32
    %dma_wait3A_448 = arith.constant 0 : i32
    %dma_wait3A_449 = arith.constant 0 : i32
    %dma_wait3A_450 = tpu.memref_slice %arg9[%dma_wait3A_448, %dma_wait3A_449] : memref<400x256xf32, #tpu.memory_space<vmem>> -> memref<80x256xf32, #tpu.memory_space<vmem>>
    %dma_wait3A_451 = arith.constant 0 : i32
    %dma_wait3A_452 = tpu.memref_slice %arg8[%dma_wait3A, %dma_wait3A_451] : memref<5x80xi32, #tpu.memory_space<vmem>> -> memref<1x80xi32, #tpu.memory_space<vmem>>
    %dma_wait3A_453 = tpu.memref_squeeze %dma_wait3A_452 : memref<1x80xi32, #tpu.memory_space<vmem>> -> memref<80xi32, #tpu.memory_space<vmem>>
    %dma_wait3A_454 = arith.constant 0 : i32
    %dma_wait3A_455 = arith.constant 0 : i32
    %dma_wait3A_456 = tpu.memref_slice %arg4[%dma_wait3A_454, %dma_wait3A_455] : memref<91x256xf32, #tpu.memory_space<hbm>> -> memref<91x256xf32, #tpu.memory_space<hbm>>
    tpu.wait_indirect_dma semaphore(%arg10 : memref<!tpu.dma_semaphore, #tpu.memory_space<semaphore_mem>>) src(%dma_wait3A_456 : memref<91x256xf32, #tpu.memory_space<hbm>>) dst(%dma_wait3A_450 : memref<80x256xf32, #tpu.memory_space<vmem>>)
    %dma_wait3A_457 = arith.constant 1 : i32
    %dma_wait3A_458 = arith.constant 80 : i32
    %dma_wait3A_459 = arith.constant 0 : i32
    %dma_wait3A_460 = tpu.memref_slice %arg9[%dma_wait3A_458, %dma_wait3A_459] : memref<400x256xf32, #tpu.memory_space<vmem>> -> memref<80x256xf32, #tpu.memory_space<vmem>>
    %dma_wait3A_461 = arith.constant 0 : i32
    %dma_wait3A_462 = tpu.memref_slice %arg8[%dma_wait3A_457, %dma_wait3A_461] : memref<5x80xi32, #tpu.memory_space<vmem>> -> memref<1x80xi32, #tpu.memory_space<vmem>>
    %dma_wait3A_463 = tpu.memref_squeeze %dma_wait3A_462 : memref<1x80xi32, #tpu.memory_space<vmem>> -> memref<80xi32, #tpu.memory_space<vmem>>
    %dma_wait3A_464 = arith.constant 0 : i32
    %dma_wait3A_465 = arith.constant 0 : i32
    %dma_wait3A_466 = tpu.memref_slice %arg4[%dma_wait3A_464, %dma_wait3A_465] : memref<91x256xf32, #tpu.memory_space<hbm>> -> memref<91x256xf32, #tpu.memory_space<hbm>>
    tpu.wait_indirect_dma semaphore(%arg10 : memref<!tpu.dma_semaphore, #tpu.memory_space<semaphore_mem>>) src(%dma_wait3A_466 : memref<91x256xf32, #tpu.memory_space<hbm>>) dst(%dma_wait3A_460 : memref<80x256xf32, #tpu.memory_space<vmem>>)
    %dma_wait3A_467 = arith.constant 2 : i32
    %dma_wait3A_468 = arith.constant 160 : i32
    %dma_wait3A_469 = arith.constant 0 : i32
    %dma_wait3A_470 = tpu.memref_slice %arg9[%dma_wait3A_468, %dma_wait3A_469] : memref<400x256xf32, #tpu.memory_space<vmem>> -> memref<80x256xf32, #tpu.memory_space<vmem>>
    %dma_wait3A_471 = arith.constant 0 : i32
    %dma_wait3A_472 = tpu.memref_slice %arg8[%dma_wait3A_467, %dma_wait3A_471] : memref<5x80xi32, #tpu.memory_space<vmem>> -> memref<1x80xi32, #tpu.memory_space<vmem>>
    %dma_wait3A_473 = tpu.memref_squeeze %dma_wait3A_472 : memref<1x80xi32, #tpu.memory_space<vmem>> -> memref<80xi32, #tpu.memory_space<vmem>>
    %dma_wait3A_474 = arith.constant 0 : i32
    %dma_wait3A_475 = arith.constant 0 : i32
    %dma_wait3A_476 = tpu.memref_slice %arg4[%dma_wait3A_474, %dma_wait3A_475] : memref<91x256xf32, #tpu.memory_space<hbm>> -> memref<91x256xf32, #tpu.memory_space<hbm>>
    tpu.wait_indirect_dma semaphore(%arg10 : memref<!tpu.dma_semaphore, #tpu.memory_space<semaphore_mem>>) src(%dma_wait3A_476 : memref<91x256xf32, #tpu.memory_space<hbm>>) dst(%dma_wait3A_470 : memref<80x256xf32, #tpu.memory_space<vmem>>)
    %dma_wait3A_477 = arith.constant 3 : i32
    %dma_wait3A_478 = arith.constant 240 : i32
    %dma_wait3A_479 = arith.constant 0 : i32
    %dma_wait3A_480 = tpu.memref_slice %arg9[%dma_wait3A_478, %dma_wait3A_479] : memref<400x256xf32, #tpu.memory_space<vmem>> -> memref<80x256xf32, #tpu.memory_space<vmem>>
    %dma_wait3A_481 = arith.constant 0 : i32
    %dma_wait3A_482 = tpu.memref_slice %arg8[%dma_wait3A_477, %dma_wait3A_481] : memref<5x80xi32, #tpu.memory_space<vmem>> -> memref<1x80xi32, #tpu.memory_space<vmem>>
    %dma_wait3A_483 = tpu.memref_squeeze %dma_wait3A_482 : memref<1x80xi32, #tpu.memory_space<vmem>> -> memref<80xi32, #tpu.memory_space<vmem>>
    %dma_wait3A_484 = arith.constant 0 : i32
    %dma_wait3A_485 = arith.constant 0 : i32
    %dma_wait3A_486 = tpu.memref_slice %arg4[%dma_wait3A_484, %dma_wait3A_485] : memref<91x256xf32, #tpu.memory_space<hbm>> -> memref<91x256xf32, #tpu.memory_space<hbm>>
    tpu.wait_indirect_dma semaphore(%arg10 : memref<!tpu.dma_semaphore, #tpu.memory_space<semaphore_mem>>) src(%dma_wait3A_486 : memref<91x256xf32, #tpu.memory_space<hbm>>) dst(%dma_wait3A_480 : memref<80x256xf32, #tpu.memory_space<vmem>>)
    %dma_wait3A_487 = arith.constant 4 : i32
    %dma_wait3A_488 = arith.constant 320 : i32
    %dma_wait3A_489 = arith.constant 0 : i32
    %dma_wait3A_490 = tpu.memref_slice %arg9[%dma_wait3A_488, %dma_wait3A_489] : memref<400x256xf32, #tpu.memory_space<vmem>> -> memref<80x256xf32, #tpu.memory_space<vmem>>
    %dma_wait3A_491 = arith.constant 0 : i32
    %dma_wait3A_492 = tpu.memref_slice %arg8[%dma_wait3A_487, %dma_wait3A_491] : memref<5x80xi32, #tpu.memory_space<vmem>> -> memref<1x80xi32, #tpu.memory_space<vmem>>
    %dma_wait3A_493 = tpu.memref_squeeze %dma_wait3A_492 : memref<1x80xi32, #tpu.memory_space<vmem>> -> memref<80xi32, #tpu.memory_space<vmem>>
    %dma_wait3A_494 = arith.constant 0 : i32
    %dma_wait3A_495 = arith.constant 0 : i32
    %dma_wait3A_496 = tpu.memref_slice %arg4[%dma_wait3A_494, %dma_wait3A_495] : memref<91x256xf32, #tpu.memory_space<hbm>> -> memref<91x256xf32, #tpu.memory_space<hbm>>
    tpu.wait_indirect_dma semaphore(%arg10 : memref<!tpu.dma_semaphore, #tpu.memory_space<semaphore_mem>>) src(%dma_wait3A_496 : memref<91x256xf32, #tpu.memory_space<hbm>>) dst(%dma_wait3A_490 : memref<80x256xf32, #tpu.memory_space<vmem>>)
    "tpu.region"() ({
      %run_scoped3A = tpu.sem_alloc : memref<!tpu.dma_semaphore, #tpu.memory_space<semaphore_mem>>
      %dma_start3A_497 = arith.constant 0 : i32
      %dma_start3A_498 = tpu.memref_slice %arg5[%mul3A_2, %dma_start3A_497] : memref<12800x256xf32, #tpu.memory_space<hbm>> -> memref<400x256xf32, #tpu.memory_space<hbm>>
      %dma_start3A_499 = arith.constant 0 : i32
      %dma_start3A_500 = tpu.memref_slice %arg5[%mul3A_2, %dma_start3A_499] : memref<12800x256xf32, #tpu.memory_space<hbm>> -> memref<400x256xf32, #tpu.memory_space<hbm>>
      tpu.enqueue_dma source(%arg9 : memref<400x256xf32, #tpu.memory_space<vmem>>) target(%dma_start3A_500 : memref<400x256xf32, #tpu.memory_space<hbm>>) target_semaphore(%run_scoped3A : memref<!tpu.dma_semaphore, #tpu.memory_space<semaphore_mem>>)
      %dma_wait3A_501 = arith.constant 0 : i32
      %dma_wait3A_502 = tpu.memref_slice %arg5[%mul3A_2, %dma_wait3A_501] : memref<12800x256xf32, #tpu.memory_space<hbm>> -> memref<400x256xf32, #tpu.memory_space<hbm>>
      %dma_wait3A_503 = arith.constant 0 : i32
      %dma_wait3A_504 = tpu.memref_slice %arg5[%mul3A_2, %dma_wait3A_503] : memref<12800x256xf32, #tpu.memory_space<hbm>> -> memref<400x256xf32, #tpu.memory_space<hbm>>
      tpu.wait_dma2 semaphore(%run_scoped3A : memref<!tpu.dma_semaphore, #tpu.memory_space<semaphore_mem>>) src(%arg9 : memref<400x256xf32, #tpu.memory_space<vmem>>) dst(%dma_wait3A_504 : memref<400x256xf32, #tpu.memory_space<hbm>>)
      tpu.yield
    }) : () -> ()
    return
  }
}

module attributes {stable_mosaic.version = 14 : i64} {
  func.func @body(%arg0: memref<128x100xf32, #tpu.memory_space<vmem>>, %arg1: memref<128x100xf32, #tpu.memory_space<vmem>>, %arg2: memref<128x100xf32, #tpu.memory_space<vmem>>, %arg3: memref<128x100xf32, #tpu.memory_space<vmem>>, %arg4: memref<128x100xf32, #tpu.memory_space<vmem>>, %arg5: memref<128x100xf32, #tpu.memory_space<vmem>>, %arg6: memref<128x100xf32, #tpu.memory_space<vmem>>, %arg7: memref<128x100xf32, #tpu.memory_space<vmem>>, %arg8: memref<128x100xf32, #tpu.memory_space<vmem>>, %arg9: memref<128x100xf32, #tpu.memory_space<vmem>>, %arg10: memref<128x100xf32, #tpu.memory_space<vmem>>, %arg11: memref<128x100xf32, #tpu.memory_space<vmem>>) attributes {dimension_semantics = [], scalar_prefetch = 0 : i64, scratch_operands = 0 : i64, tpu.core_type = #tpu.core_type<tc>} {
    %get3A = arith.constant 0 : index
    %get3A_0 = arith.constant 0 : index
    %get3A_1 = vector.load %arg2[%get3A, %get3A_0] : memref<128x100xf32, #tpu.memory_space<vmem>>, vector<128x100xf32>
    %get3A_2 = arith.constant 0 : index
    %get3A_3 = arith.constant 0 : index
    %get3A_4 = vector.load %arg3[%get3A_2, %get3A_3] : memref<128x100xf32, #tpu.memory_space<vmem>>, vector<128x100xf32>
    %get3A_5 = arith.constant 0 : index
    %get3A_6 = arith.constant 0 : index
    %get3A_7 = vector.load %arg0[%get3A_5, %get3A_6] : memref<128x100xf32, #tpu.memory_space<vmem>>, vector<128x100xf32>
    %get3A_8 = arith.constant 0 : index
    %get3A_9 = arith.constant 0 : index
    %get3A_10 = vector.load %arg4[%get3A_8, %get3A_9] : memref<128x100xf32, #tpu.memory_space<vmem>>, vector<128x100xf32>
    %div3A = arith.constant 2.000000e+00 : f32
    %div3A_11 = vector.broadcast %div3A : f32 to vector<128x100xf32>
    %div3A_12 = arith.divf %get3A_1, %div3A_11 : vector<128x100xf32>
    %mul3A = arith.mulf %get3A_10, %div3A_12 : vector<128x100xf32>
    %mul3A_13 = arith.constant 4.000000e-01 : f32
    %mul3A_14 = vector.broadcast %mul3A_13 : f32 to vector<128x100xf32>
    %mul3A_15 = arith.mulf %mul3A, %mul3A_14 : vector<128x100xf32>
    %add3A = arith.addf %get3A_7, %mul3A_15 : vector<128x100xf32>
    %jit3A = arith.constant 0.000000e+00 : f32
    %jit3A_16 = arith.constant 1.000000e+00 : f32
    %max3A = vector.broadcast %jit3A : f32 to vector<128x100xf32>
    %max3A_17 = arith.maximumf %max3A, %add3A : vector<128x100xf32>
    %min3A = vector.broadcast %jit3A_16 : f32 to vector<128x100xf32>
    %min3A_18 = arith.minimumf %min3A, %max3A_17 : vector<128x100xf32>
    %swap3A = arith.constant 0 : index
    %swap3A_19 = arith.constant 0 : index
    %swap3A_20 = vector.load %arg8[%swap3A, %swap3A_19] : memref<128x100xf32, #tpu.memory_space<vmem>>, vector<128x100xf32>
    tpu.vector_store %arg8[%swap3A, %swap3A_19], %min3A_18 {strides = array<i32>} : memref<128x100xf32, #tpu.memory_space<vmem>>, vector<128x100xf32>,
    %get3A_21 = arith.constant 0 : index
    %get3A_22 = arith.constant 0 : index
    %get3A_23 = vector.load %arg1[%get3A_21, %get3A_22] : memref<128x100xf32, #tpu.memory_space<vmem>>, vector<128x100xf32>
    %get3A_24 = arith.constant 0 : index
    %get3A_25 = arith.constant 0 : index
    %get3A_26 = vector.load %arg5[%get3A_24, %get3A_25] : memref<128x100xf32, #tpu.memory_space<vmem>>, vector<128x100xf32>
    %div3A_27 = arith.constant 2.000000e+00 : f32
    %div3A_28 = vector.broadcast %div3A_27 : f32 to vector<128x100xf32>
    %div3A_29 = arith.divf %get3A_4, %div3A_28 : vector<128x100xf32>
    %mul3A_30 = arith.mulf %get3A_26, %div3A_29 : vector<128x100xf32>
    %mul3A_31 = arith.constant 4.000000e-01 : f32
    %mul3A_32 = vector.broadcast %mul3A_31 : f32 to vector<128x100xf32>
    %mul3A_33 = arith.mulf %mul3A_30, %mul3A_32 : vector<128x100xf32>
    %add3A_34 = arith.addf %get3A_23, %mul3A_33 : vector<128x100xf32>
    %jit3A_35 = arith.constant 0.000000e+00 : f32
    %jit3A_36 = arith.constant 1.000000e+00 : f32
    %max3A_37 = vector.broadcast %jit3A_35 : f32 to vector<128x100xf32>
    %max3A_38 = arith.maximumf %max3A_37, %add3A_34 : vector<128x100xf32>
    %min3A_39 = vector.broadcast %jit3A_36 : f32 to vector<128x100xf32>
    %min3A_40 = arith.minimumf %min3A_39, %max3A_38 : vector<128x100xf32>
    %swap3A_41 = arith.constant 0 : index
    %swap3A_42 = arith.constant 0 : index
    %swap3A_43 = vector.load %arg9[%swap3A_41, %swap3A_42] : memref<128x100xf32, #tpu.memory_space<vmem>>, vector<128x100xf32>
    tpu.vector_store %arg9[%swap3A_41, %swap3A_42], %min3A_40 {strides = array<i32>} : memref<128x100xf32, #tpu.memory_space<vmem>>, vector<128x100xf32>,
    %get3A_44 = arith.constant 0 : index
    %get3A_45 = arith.constant 0 : index
    %get3A_46 = vector.load %arg6[%get3A_44, %get3A_45] : memref<128x100xf32, #tpu.memory_space<vmem>>, vector<128x100xf32>
    %mul3A_47 = arith.mulf %get3A_46, %get3A_1 : vector<128x100xf32>
    %mul3A_48 = arith.constant 4.000000e-01 : f32
    %mul3A_49 = vector.broadcast %mul3A_48 : f32 to vector<128x100xf32>
    %mul3A_50 = arith.mulf %mul3A_47, %mul3A_49 : vector<128x100xf32>
    %add3A_51 = arith.addf %get3A_1, %mul3A_50 : vector<128x100xf32>
    %jit3A_52 = arith.constant 0.000000e+00 : f32
    %jit3A_53 = arith.constant 1.000000e+00 : f32
    %max3A_54 = vector.broadcast %jit3A_52 : f32 to vector<128x100xf32>
    %max3A_55 = arith.maximumf %max3A_54, %add3A_51 : vector<128x100xf32>
    %min3A_56 = vector.broadcast %jit3A_53 : f32 to vector<128x100xf32>
    %min3A_57 = arith.minimumf %min3A_56, %max3A_55 : vector<128x100xf32>
    %swap3A_58 = arith.constant 0 : index
    %swap3A_59 = arith.constant 0 : index
    %swap3A_60 = vector.load %arg10[%swap3A_58, %swap3A_59] : memref<128x100xf32, #tpu.memory_space<vmem>>, vector<128x100xf32>
    tpu.vector_store %arg10[%swap3A_58, %swap3A_59], %min3A_57 {strides = array<i32>} : memref<128x100xf32, #tpu.memory_space<vmem>>, vector<128x100xf32>,
    %get3A_61 = arith.constant 0 : index
    %get3A_62 = arith.constant 0 : index
    %get3A_63 = vector.load %arg7[%get3A_61, %get3A_62] : memref<128x100xf32, #tpu.memory_space<vmem>>, vector<128x100xf32>
    %mul3A_64 = arith.mulf %get3A_63, %get3A_4 : vector<128x100xf32>
    %mul3A_65 = arith.constant 4.000000e-01 : f32
    %mul3A_66 = vector.broadcast %mul3A_65 : f32 to vector<128x100xf32>
    %mul3A_67 = arith.mulf %mul3A_64, %mul3A_66 : vector<128x100xf32>
    %add3A_68 = arith.addf %get3A_4, %mul3A_67 : vector<128x100xf32>
    %jit3A_69 = arith.constant 0.000000e+00 : f32
    %jit3A_70 = arith.constant 1.000000e+00 : f32
    %max3A_71 = vector.broadcast %jit3A_69 : f32 to vector<128x100xf32>
    %max3A_72 = arith.maximumf %max3A_71, %add3A_68 : vector<128x100xf32>
    %min3A_73 = vector.broadcast %jit3A_70 : f32 to vector<128x100xf32>
    %min3A_74 = arith.minimumf %min3A_73, %max3A_72 : vector<128x100xf32>
    %swap3A_75 = arith.constant 0 : index
    %swap3A_76 = arith.constant 0 : index
    %swap3A_77 = vector.load %arg11[%swap3A_75, %swap3A_76] : memref<128x100xf32, #tpu.memory_space<vmem>>, vector<128x100xf32>
    tpu.vector_store %arg11[%swap3A_75, %swap3A_76], %min3A_74 {strides = array<i32>} : memref<128x100xf32, #tpu.memory_space<vmem>>, vector<128x100xf32>,
    return
  }
}

module attributes {stable_mosaic.version = 14 : i64} {
  func.func @body(%arg0: i32, %arg1: memref<1xi32, #tpu.memory_space<smem>>, %arg2: memref<200x1000xi32, #tpu.memory_space<vmem>>) attributes {dimension_semantics = [#tpu.dimension_semantics<arbitrary>], iteration_bounds = array<i64: 5>, scalar_prefetch = 0 : i64, scratch_operands = 0 : i64, tpu.core_type = #tpu.core_type<tc>, window_params = [{transform_indices = @transform_0, window_bounds = array<i64: 1>}, {transform_indices = @transform_1, window_bounds = array<i64: 200, 1000>}]} {
    %mul3A = arith.constant 200 : i32
    %mul3A_0 = arith.muli %arg0, %mul3A : i32
    %get3A = arith.constant 0 : index
    %get3A_1 = memref.load %arg1[%get3A] : memref<1xi32, #tpu.memory_space<smem>>
    %iota3A = tpu.iota {dimensions = array<i32: 0>} : vector<200x1000xi32>
    %add3A = vector.broadcast %mul3A_0 : i32 to vector<200x1000xi32>
    %add3A_2 = arith.addi %iota3A, %add3A : vector<200x1000xi32>
    %iota3A_3 = tpu.iota {dimensions = array<i32: 1>} : vector<200x1000xi32>
    %ge3A = vector.broadcast %get3A_1 : i32 to vector<200x1000xi32>
    %ge3A_4 = arith.cmpi sge, %add3A_2, %ge3A : vector<200x1000xi32>
    %lt3A = vector.broadcast %get3A_1 : i32 to vector<200x1000xi32>
    %lt3A_5 = arith.cmpi slt, %iota3A_3, %lt3A : vector<200x1000xi32>
    %and3A = arith.andi %ge3A_4, %lt3A_5 : vector<200x1000xi1>
    %lt3A_6 = arith.constant 100 : i32
    %lt3A_7 = vector.broadcast %lt3A_6 : i32 to vector<200x1000xi32>
    %lt3A_8 = arith.cmpi slt, %add3A_2, %lt3A_7 : vector<200x1000xi32>
    %lt3A_9 = arith.constant 100 : i32
    %lt3A_10 = vector.broadcast %lt3A_9 : i32 to vector<200x1000xi32>
    %lt3A_11 = arith.cmpi slt, %iota3A_3, %lt3A_10 : vector<200x1000xi32>
    %and3A_12 = arith.andi %lt3A_8, %lt3A_11 : vector<200x1000xi1>
    %jit3A = arith.constant 20 : i32
    %div3A = vector.broadcast %jit3A : i32 to vector<200x1000xi32>
    %div3A_13 = arith.divsi %add3A_2, %div3A : vector<200x1000xi32>
    %sign3A = arith.constant 0 : i32
    %sign3A_14 = vector.broadcast %sign3A : i32 to vector<200x1000xi32>
    %sign3A_15 = arith.cmpi sgt, %add3A_2, %sign3A_14 : vector<200x1000xi32>
    %sign3A_16 = arith.extui %sign3A_15 : vector<200x1000xi1> to vector<200x1000xi32>
    %sign3A_17 = arith.constant 0 : i32
    %sign3A_18 = vector.broadcast %sign3A_17 : i32 to vector<200x1000xi32>
    %sign3A_19 = arith.cmpi slt, %add3A_2, %sign3A_18 : vector<200x1000xi32>
    %sign3A_20 = arith.extui %sign3A_19 : vector<200x1000xi1> to vector<200x1000xi32>
    %sign3A_21 = arith.subi %sign3A_16, %sign3A_20 : vector<200x1000xi32>
    %sign3A_22 = arith.constant 0 : i32
    %sign3A_23 = arith.cmpi sgt, %jit3A, %sign3A_22 : i32
    %sign3A_24 = arith.extui %sign3A_23 : i1 to i32
    %sign3A_25 = arith.constant 0 : i32
    %sign3A_26 = arith.cmpi slt, %jit3A, %sign3A_25 : i32
    %sign3A_27 = arith.extui %sign3A_26 : i1 to i32
    %sign3A_28 = arith.subi %sign3A_24, %sign3A_27 : i32
    %ne3A = vector.broadcast %sign3A_28 : i32 to vector<200x1000xi32>
    %ne3A_29 = arith.cmpi ne, %sign3A_21, %ne3A : vector<200x1000xi32>
    %rem3A = vector.broadcast %jit3A : i32 to vector<200x1000xi32>
    %rem3A_30 = arith.remsi %add3A_2, %rem3A : vector<200x1000xi32>
    %ne3A_31 = arith.constant 0 : i32
    %ne3A_32 = vector.broadcast %ne3A_31 : i32 to vector<200x1000xi32>
    %ne3A_33 = arith.cmpi ne, %rem3A_30, %ne3A_32 : vector<200x1000xi32>
    %and3A_34 = arith.andi %ne3A_29, %ne3A_33 : vector<200x1000xi1>
    %sub3A = arith.constant 1 : i32
    %sub3A_35 = vector.broadcast %sub3A : i32 to vector<200x1000xi32>
    %sub3A_36 = arith.subi %div3A_13, %sub3A_35 : vector<200x1000xi32>
    %select_n3A = arith.select %and3A_34, %sub3A_36, %div3A_13 : vector<200x1000xi1>, vector<200x1000xi32>
    %jit3A_37 = arith.constant 20 : i32
    %div3A_38 = vector.broadcast %jit3A_37 : i32 to vector<200x1000xi32>
    %div3A_39 = arith.divsi %iota3A_3, %div3A_38 : vector<200x1000xi32>
    %sign3A_40 = arith.constant 0 : i32
    %sign3A_41 = vector.broadcast %sign3A_40 : i32 to vector<200x1000xi32>
    %sign3A_42 = arith.cmpi sgt, %iota3A_3, %sign3A_41 : vector<200x1000xi32>
    %sign3A_43 = arith.extui %sign3A_42 : vector<200x1000xi1> to vector<200x1000xi32>
    %sign3A_44 = arith.constant 0 : i32
    %sign3A_45 = vector.broadcast %sign3A_44 : i32 to vector<200x1000xi32>
    %sign3A_46 = arith.cmpi slt, %iota3A_3, %sign3A_45 : vector<200x1000xi32>
    %sign3A_47 = arith.extui %sign3A_46 : vector<200x1000xi1> to vector<200x1000xi32>
    %sign3A_48 = arith.subi %sign3A_43, %sign3A_47 : vector<200x1000xi32>
    %sign3A_49 = arith.constant 0 : i32
    %sign3A_50 = arith.cmpi sgt, %jit3A_37, %sign3A_49 : i32
    %sign3A_51 = arith.extui %sign3A_50 : i1 to i32
    %sign3A_52 = arith.constant 0 : i32
    %sign3A_53 = arith.cmpi slt, %jit3A_37, %sign3A_52 : i32
    %sign3A_54 = arith.extui %sign3A_53 : i1 to i32
    %sign3A_55 = arith.subi %sign3A_51, %sign3A_54 : i32
    %ne3A_56 = vector.broadcast %sign3A_55 : i32 to vector<200x1000xi32>
    %ne3A_57 = arith.cmpi ne, %sign3A_48, %ne3A_56 : vector<200x1000xi32>
    %rem3A_58 = vector.broadcast %jit3A_37 : i32 to vector<200x1000xi32>
    %rem3A_59 = arith.remsi %iota3A_3, %rem3A_58 : vector<200x1000xi32>
    %ne3A_60 = arith.constant 0 : i32
    %ne3A_61 = vector.broadcast %ne3A_60 : i32 to vector<200x1000xi32>
    %ne3A_62 = arith.cmpi ne, %rem3A_59, %ne3A_61 : vector<200x1000xi32>
    %and3A_63 = arith.andi %ne3A_57, %ne3A_62 : vector<200x1000xi1>
    %sub3A_64 = arith.constant 1 : i32
    %sub3A_65 = vector.broadcast %sub3A_64 : i32 to vector<200x1000xi32>
    %sub3A_66 = arith.subi %div3A_39, %sub3A_65 : vector<200x1000xi32>
    %select_n3A_67 = arith.select %and3A_63, %sub3A_66, %div3A_39 : vector<200x1000xi1>, vector<200x1000xi32>
    %ne3A_68 = arith.cmpi ne, %select_n3A, %select_n3A_67 : vector<200x1000xi32>
    %and3A_69 = arith.andi %and3A_12, %ne3A_68 : vector<200x1000xi1>
    %or3A = arith.ori %and3A, %and3A_69 : vector<200x1000xi1>
    %swap3A = arith.constant 0 : index
    %swap3A_70 = arith.constant 0 : index
    %swap3A_71 = vector.load %arg2[%swap3A, %swap3A_70] : memref<200x1000xi32, #tpu.memory_space<vmem>>, vector<200x1000xi32>
    %swap3A_72 = arith.extui %or3A : vector<200x1000xi1> to vector<200x1000xi32>
    %swap3A_73 = arith.constant dense<0> : vector<200x1000xi32>
    %swap3A_74 = arith.cmpi ne, %swap3A_71, %swap3A_73 : vector<200x1000xi32>
    tpu.vector_store %arg2[%swap3A, %swap3A_70], %swap3A_72 {strides = array<i32>} : memref<200x1000xi32, #tpu.memory_space<vmem>>, vector<200x1000xi32>,
    return
  }
  func.func @transform_0(%arg0: i32) -> i32 {
    %c0_i32 = arith.constant 0 : i32
    %c0_i32_0 = arith.constant 0 : i32
    return %c0_i32 : i32
  }
  func.func @transform_1(%arg0: i32) -> (i32, i32) {
    %c0_i32 = arith.constant 0 : i32
    %c0_i32_0 = arith.constant 0 : i32
    return %arg0, %c0_i32 : i32, i32
  }
}

</mosaic_0001>

<sc_bundles>
// kernel: kernel.5.cloned.1.call-start
scs
__scs_entry_jumppad:
0x0: {  	(pc) =	sbr.rel $0x88, $3  }
0x1: {  	(tag) =	ssettag $0x0;
	lr =	simm.s32 $0x1  }
0x2: {  	[smem:$0x3F9D] =	sst lr;
	_ =	strace $0xD0000000  }
0x3: {  	_ = 	snop  }
0x4: {  	_ = 	snop  }
0x5: {  	_ = 	snop  }
0x6: {  	_ = 	snop  }
0x7: {  	_ = 	snop  }
__scs_overlays_trampoline_lowered:
0x8: {  	[smem:$0x3FAC] =	sst s0  }
0x9: {  	[smem:$0x3FAD] =	sst s1  }
0xa: {  	[smem:$0x3FAE] =	sst s2  }
0xb: {  	[smem:$0x3FAF] =	sst s3  }
0xc: {  	[smem:$0x3FB0] =	sst s4  }
0xd: {  	[smem:$0x3FB1] =	sst s5  }
0xe: {  	[smem:$0x3FB2] =	sst s6  }
0xf: {  	[smem:$0x3FB3] =	sst s7  }
0x10: {  	[smem:$0x3FB4] =	sst s8  }
0x11: {  	[smem:$0x3FB5] =	sst s9;
	s0 =	simm.s32 @!p0 $0x0  }
0x12: {  	s1 =	sld [smem:$0x3F9B];
	s0 =	simm.s32 @p0 $0x1  }
0x13: {  	[smem:$0x3FB6] =	sst s0;
	s0 =	simm.s32 @!p1 $0x0  }
0x14: {  	s2 =	sld [smem:$0x3F9A];
	s0 =	simm.s32 @p1 $0x1  }
0x15: {  	[smem:$0x3FB7] =	sst s0;
	s0 =	simm.s32 @!p2 $0x0  }
0x16: {  	s3 =	sld [smem:$0x3FDB];
	s0 =	simm.s32 @p2 $0x1  }
0x17: {  	s4 =	simm.s32 $0x1BF5;
	[smem:$0x3FB9] =	sst s0  }
0x18: {  	s0 =	sld [smem:$0x3F9C];
	_ =	swait.ge [sflag:s4], $0x0  }
0x19: {  	s7 =	sld [smem:$0x3F9D]  }
0x1a: {  	s8 =	sadd.s32 $0xFFFFE003, lr  }
0x1b: {  	s9 =	sadd.s32 $0xFFFFFEF7, lr;
	s5 =	simm.s32 $0xFFFFFFFF;
	p2 =	slt.u32 s8, $0xFFFFF086  }
0x1c: {  	p1 =	slt.u32 s9, $0xF7A;
	s5 =	simm.s32 @!p2 $0x0  }
0x1d: {  	s5 =	simm.s32 @p1 $0x1;
	p0 =	seq.s32 s7, s2  }
0x1e: {  	s7 =	smul.u32 @!p0 $0xF7A, s2;
	p2 =	seq.s32 @!p0 s5, $0x0  }
0x1f: {  	s9 =	smul.u32 $0xF7A, s1;
	s8 =	simm.s32 @!p0 $0x1BF5;
	p2 =	por !p2, p0  }
0x20: {  	[sflag:s8] =	ssyncset.s32 @!p0 $0xFFFFF086;
	s6 =	sadd.s32 @!p0 s3, s7;
	s7 =	simm.s32 @!p0 $0x108  }
0x21: {  	s3 =	sadd.s32 s3, s9;
	s6 =	sadd.s32 @!p0 $0x88, s6;
	s7 =	simm.s32 @p2 $0x1082  }
0x22: {  	[simem:s7], [sflag:s8] =	dma.local @!p0 [hbm:s6], $0xF7A  }
0x23: {  	s9 =	sor.u32 $0xD0000000, s2;
	s6 =	simm.s32 $0x108;
	_ =	swait.ge @!p0 [sflag:s8], $0x0  }
0x24: {  	s3 =	sadd.s32 $0x88, s3;
	s6 =	simm.s32 @!p1 $0x1082;
	[sflag:s4] =	ssyncset.s32 $0xFFFFF086  }
0x25: {  	[simem:s6], [sflag:s4] =	dma.local [hbm:s3], $0xF7A  }
0x26: {  	[smem:$0x3F9D] =	sst s1;
	(tag) =	ssettag s2;
	_ =	strace s9  }
0x27: {  	s1 =	sld [smem:$0x3FAD]  }
0x28: {  	s2 =	sld [smem:$0x3FAE]  }
0x29: {  	s4 =	sld [smem:$0x3FB0]  }
0x2a: {  	p0 =	seq.s32 s5, $0x0;
	s5 =	sld [smem:$0x3FB1]  }
0x2b: {  	s6 =	sld [smem:$0x3FB2]  }
0x2c: {  	s7 =	sld [smem:$0x3FB3]  }
0x2d: {  	s3 =	simm.s32 $0x108;
	s8 =	sld [smem:$0x3FB4]  }
0x2e: {  	s3 =	simm.s32 @!p0 $0x1082;
	s9 =	sld [smem:$0x3FB5]  }
0x2f: {  	lr =	sadd.s32 s0, s3;
	s0 =	sld [smem:$0x3FAC]  }
0x30: {  	s3 =	sld [smem:$0x3FAF]  }
0x31: {  	[smem:$0x3FB8] =	sst s10  }
0x32: {  	s10 =	sld [smem:$0x3FB6];
	_ =	sdelay $0x3  }
0x33: {  	p0 =	seq.s32 s10, $0x1;
	s10 =	sld [smem:$0x3FB8];
	_ =	sdelay $0x3  }
0x34: {  	[smem:$0x3FB8] =	sst s10  }
0x35: {  	s10 =	sld [smem:$0x3FB7];
	_ =	sdelay $0x3  }
0x36: {  	p1 =	seq.s32 s10, $0x1;
	s10 =	sld [smem:$0x3FB8];
	_ =	sdelay $0x3  }
0x37: {  	[smem:$0x3FB8] =	sst s10  }
0x38: {  	s10 =	sld [smem:$0x3FB9]  }
0x39: {  	_ = 	snop;
	(pc) =	sbr.ind lr, $3  }
0x3a: {  	_ = 	snop  }
0x3b: {  	_ = 	snop  }
0x3c: {  	p2 =	seq.s32 s10, $0x1;
	s10 =	sld [smem:$0x3FB8]  }
0x3d: {  	_ =	shalt  }
0x3e: {  	_ =	shalt  }
0x3f: {  	_ =	shalt  }
0x40: {  	_ =	shalt  }
0x41: {  	_ =	shalt  }
0x42: {  	_ =	shalt  }
0x43: {  	_ =	shalt  }
0x44: {  	_ =	shalt  }
0x45: {  	_ =	shalt  }
0x46: {  	_ =	shalt  }
0x47: {  	_ =	shalt  }
0x48: {  	_ =	shalt  }
0x49: {  	_ =	shalt  }
0x4a: {  	_ =	shalt  }
0x4b: {  	_ =	shalt  }
0x4c: {  	_ =	shalt  }
0x4d: {  	_ =	shalt  }
0x4e: {  	_ =	shalt  }
0x4f: {  	_ =	shalt  }
0x50: {  	_ =	shalt  }
0x51: {  	_ =	shalt  }
0x52: {  	_ =	shalt  }
0x53: {  	_ =	shalt  }
0x54: {  	_ =	shalt  }
0x55: {  	_ =	shalt  }
0x56: {  	_ =	shalt  }
0x57: {  	_ =	shalt  }
0x58: {  	_ =	shalt  }
0x59: {  	_ =	shalt  }
0x5a: {  	_ =	shalt  }
0x5b: {  	_ =	shalt  }
0x5c: {  	_ =	shalt  }
0x5d: {  	_ =	shalt  }
0x5e: {  	_ =	shalt  }
0x5f: {  	_ =	shalt  }
0x60: {  	_ =	shalt  }
0x61: {  	_ =	shalt  }
0x62: {  	_ =	shalt  }
0x63: {  	_ =	shalt  }
0x64: {  	_ =	shalt  }
0x65: {  	_ =	shalt  }
0x66: {  	_ =	shalt  }
0x67: {  	_ =	shalt  }
0x68: {  	_ =	shalt  }
0x69: {  	_ =	shalt  }
0x6a: {  	_ =	shalt  }
0x6b: {  	_ =	shalt  }
0x6c: {  	_ =	shalt  }
0x6d: {  	_ =	shalt  }
0x6e: {  	_ =	shalt  }
0x6f: {  	_ =	shalt  }
0x70: {  	_ =	shalt  }
0x71: {  	_ =	shalt  }
0x72: {  	_ =	shalt  }
0x73: {  	_ =	shalt  }
0x74: {  	_ =	shalt  }
0x75: {  	_ =	shalt  }
0x76: {  	_ =	shalt  }
0x77: {  	_ =	shalt  }
0x78: {  	_ =	shalt  }
0x79: {  	_ =	shalt  }
0x7a: {  	_ =	shalt  }
0x7b: {  	_ =	shalt  }
0x7c: {  	_ =	shalt  }
0x7d: {  	_ =	shalt  }
0x7e: {  	_ =	shalt  }
0x7f: {  	_ =	shalt  }
0x80: {  	_ =	shalt  }
0x81: {  	_ =	shalt  }
0x82: {  	_ =	shalt  }
0x83: {  	_ =	shalt  }
0x84: {  	_ =	shalt  }
0x85: {  	_ =	shalt  }
0x86: {  	_ =	shalt  }
0x87: {  	_ =	shalt  }
.Lfunc_end0:
.L_simem_size_0:
called_computation_lowered:
.L_overlay_start_0:
0x88: {  	s2 =	sld [smem:$0x3FD9]  }
0x89: {  	s3 =	sld [smem:$0x3FFE];
	_ =	sdelay $0x1  }
0x8a: {  	s1 =	srdreg.scid  }
0x8b: {  	s0 =	sand.u32 $0x1, s1  }
0x8c: {  	s14 =	sshll.u32 s0, $0xA;
	s2 =	sadd.s32 s3, s2  }
0x8d: {  	s2 =	sadd.s32 s2, s14  }
0x8e: {  	[smem:$0x3FC4] =	sst s2  }
0x8f: {  	_ = 	snop  }
0x90: {  	s2 =	sld [smem:$0x3FD0];
	_ =	sdelay $0x2  }
0x91: {  	s4 =	simm.s32 $0xA;
	s5 =	simm.s32 $0x10;
	s15 =	sld [smem:$0x3FC6]  }
0x92: {  	[smem:s5], [sflag:s4] =	dma.local [hbm:s2], $0x1  }
0x93: {  	_ =	swait.eq [sflag:s4], $0x1  }
0x94: {  	[sflag:s4] =	ssyncset.done $0x0  }
0x95: {  	[sflag:s4] =	ssyncadd.s32 $0xFFFFFFFF  }
0x96: {  	s16 =	sld [smem:$0x10];
	(tm) =	ssettm $0x1  }
0x97: {  	s17 =	sld [smem:$0x3FFB];
	_ =	sdelay $0x3  }
0x98: {  	_ =	strace s17  }
0x99: {  	s4 =	sld [smem:$0x3FFC];
	_ =	sdelay $0x3  }
0x9a: {  	_ =	strace s4  }
0x9b: {  	s4 =	sld [smem:$0x3FFD];
	_ =	sdelay $0x3  }
0x9c: {  	_ =	strace s4  }
0x9d: {  	_ =	strace $0x8FFFFFFF  }
0x9e: {  	s18 =	sld [smem:$0x3FDB];
	_ =	sdelay $0x1  }
0x9f: {  	s19 =	simm.s32 $_scs_section_size  }
0xa0: {  	s6 =	simm.s32 $_size__tile_overlayer_lowered;
	s7 =	simm.s32 $_tile_overlayer_lowered  }
0xa1: {  	s22 =	simm.s32 $0x1BFF;
	s21 =	sshll.u32 s7, $0x1;
	s4 =	sadd.s32 s19, s18  }
0xa2: {  	s8 =	simm.s32 $0x0;
	s20 =	sshll.u32 s6, $0x1;
	s6 =	sadd.s32 s21, s4  }
0xa3: {  	[timem:s8], [sflag:s22] =	dma.local [hbm:s6], s20  }
0xa4: {  	_ =	swait.ge [sflag:s22], s20  }
0xa5: {  	s5 =	ssub.s32 $0x0, s20;
	[sflag:s22] =	ssyncset.done $0x0  }
0xa6: {  	[sflag:s22] =	ssyncadd.s32 s5;
	_ =	sdelay $0x1  }
0xa7: {  	s23 =	simm.s32 $0x1B8B  }
0xa8: {  	_ =	swait.ge [sflag:s23], $0x1  }
0xa9: {  	[sflag:s23] =	ssyncset.done $0x0  }
0xaa: {  	s25 =	simm.s32 $0x1B8E;
	s24 =	sld [smem:$0x3FFE];
	[sflag:s23] =	ssyncadd.s32 $0xFFFFFFFF  }
0xab: {  	s26 =	simm.s32 $execute0_lowered;
	[smem:$0x3FD2] =	sst s25  }
0xac: {  	s6 =	sshll.u32 s26, $0x1;
	_ =	strace $0x80000046;
	[dreg:$0x1] =	wrdreg $0xFFFFFFFF  }
0xad: {  	s28 =	simm.s32 $_size_execute0_lowered;
	s4 =	sadd.s32 s4, s6;
	[dreg:$0x0] =	wrdreg $0x0  }
0xae: {  	s6 =	sshll.u32 s28, $0x1;
	[dreg:$0x2] =	wrdreg s4  }
0xaf: {  	[dreg:$0x3] =	wrdreg s6  }
0xb0: {  	[dreg:$0x4] =	wrdreg $0xC0  }
0xb1: {  	_ =	task [dreg:s8], $0x5FFFF  }
0xb2: {  	[dreg:$0x1] =	wrdreg $0xFFFFFFFF  }
0xb3: {  	[dreg:$0x0] =	wrdreg $0x60  }
0xb4: {  	[dreg:$0x2] =	wrdreg s24  }
0xb5: {  	[dreg:$0x3] =	wrdreg s15  }
0xb6: {  	[dreg:$0x4] =	wrdreg s16  }
0xb7: {  	[dreg:$0x5] =	wrdreg $0x9  }
0xb8: {  	_ =	task.clear_ibuf [dreg:s8], $0x6FFFF;
	_ =	strace $0x90000046  }
0xb9: {  	s29 =	simm.s32 $0x9;
	_ =	strace $0x80000048  }
0xba: {  	_ =	swait.ge [sflag:s29], $0x1  }
0xbb: {  	[sflag:s29] =	ssyncadd.s32 $0xFFFFFFFF  }
0xbc: {  	_ =	strace $0x90000048  }
0xbd: {  	_ =	sfence  }
0xbe: {  	s30 =	sld [smem:$0x0];
	_ =	sdelay $0x2  }
0xbf: {  	s31 =	sshll.u32 s1, $0xD;
	s1 =	sshrl.u32 s1, $0x2  }
0xc0: {  	s3 =	sand.u32 $0x4000, s31;
	s1 =	sadd.s32 s1, s30  }
0xc1: {  	s0 =	sor.u32 s3, s0;
	s1 =	sshll.u32 s1, $0x11  }
0xc2: {  	s0 =	sor.u32 s1, s0  }
0xc3: {  	s0 =	sadd.s32 $0x8F2B, s0  }
0xc4: {  	[sflag:s0] =	ssyncadd.remote.s32 $0x1  }
0xc5: {  	_ =	sfence.sel $0xFFFF  }
0xc6: {  	[dreg:$0x0] =	wrdreg $0xFFFFFFFF;
	(pc) =	sbr.abs _section_cstart, $3  }
0xc7: {  	[dreg:$0x1] =	wrdreg $0xFFFFFFFF  }
0xc8: {  	_ =	task.clear_ibuf [dreg:s8], $0x2FFFF;
	_ =	strace $0x9FFFFFFF  }
0xc9: {  	(tm) =	ssettm $0x7FFFFFFF  }
tec
execute0_lowered:
.L_overlay_start_1:
0x0: {  	(tag) =	ssettag $0x1  }
0x1: {  	s1 =	srdreg.scid  }
0x2: {  	s0 =	stileid.u32;
	s4 =	rddreg [dreg:$0x0]  }
0x3: {  	s2 =	rddreg [dreg:$0x1];
	s1 =	sand.u32 $0x1, s1;
	s3 =	sshll.u32 s0, $0x1  }
0x4: {  	s6 =	rddreg [dreg:$0x2];
	s5 =	sor.u32 s1, s3;
	s3 =	simm.s32 $0x0  }
0x5: {  	s23 =	simm.s32 $0x200;
	[smem:$0x7FF] =	sst s3  }
0x6: {  	s24 =	simm.s32 $0x1000;
	_ =	strace $0x80000047;
	[dreg:$0x7] =	wrdreg s23  }
0x7: {  	s25 =	simm.s32 $0x1800;
	[dreg:$0x8] =	wrdreg s24  }
0x8: {  	s26 =	simm.s32 $0x2000;
	[dreg:$0x9] =	wrdreg s25  }
0x9: {  	s0 =	simm.s32 $0x2800;
	[dreg:$0xa] =	wrdreg s26  }
0xa: {  	s8 =	simm.s32 $0x4800;
	[dreg:$0xb] =	wrdreg s0  }
0xb: {  	s9 =	simm.s32 $0x5000;
	[dreg:$0xf] =	wrdreg s8  }
0xc: {  	s10 =	simm.s32 $0x5800;
	[dreg:$0x10] =	wrdreg s9  }
0xd: {  	s11 =	simm.s32 $0x6000;
	[dreg:$0x11] =	wrdreg s10  }
0xe: {  	s12 =	simm.s32 $0x6800;
	[dreg:$0x12] =	wrdreg s11  }
0xf: {  	s13 =	simm.s32 $0x7000;
	[dreg:$0x13] =	wrdreg s12  }
0x10: {  	s14 =	simm.s32 $0x7800;
	[dreg:$0x14] =	wrdreg s13  }
0x11: {  	s15 =	simm.s32 $0x8000;
	[dreg:$0x15] =	wrdreg s14  }
0x12: {  	s16 =	simm.s32 $0x8800;
	s17 =	simm.s32 $0x9000;
	[dreg:$0x16] =	wrdreg s15  }
0x13: {  	s18 =	simm.s32 $0x9800;
	s19 =	simm.s32 $0xA000;
	[dreg:$0x17] =	wrdreg s16  }
0x14: {  	s20 =	simm.s32 $0xA800;
	s21 =	simm.s32 $0xB000;
	[dreg:$0x18] =	wrdreg s17  }
0x15: {  	s28 =	simm.s32 $0x17800;
	s29 =	simm.s32 $0x18000;
	[dreg:$0x19] =	wrdreg s18  }
0x16: {  	s30 =	simm.s32 $0x18800;
	s31 =	simm.s32 $0x19000;
	[dreg:$0x1a] =	wrdreg s19  }
0x17: {  	s1 =	ssub.s32 $0x2, s1;
	s7 =	smul.u32 $0x32, s5;
	[dreg:$0x1b] =	wrdreg s20  }
0x18: {  	s5 =	smul.u32 $0x3200, s5;
	[dreg:$0x1c] =	wrdreg s21;
	s23 =	simm.s32 $0xB800  }
0x19: {  	s24 =	simm.s32 $0xC000;
	s25 =	simm.s32 $0xC800;
	s26 =	simm.s32 $0xD000  }
0x1a: {  	s8 =	simm.s32 $0xE000;
	s9 =	simm.s32 $0xE800;
	s10 =	simm.s32 $0xF000  }
0x1b: {  	s11 =	simm.s32 $0xF800;
	s12 =	simm.s32 $0x10000;
	s13 =	simm.s32 $0x10800  }
0x1c: {  	s14 =	simm.s32 $0x11000;
	s15 =	simm.s32 $0x11800;
	s16 =	simm.s32 $0x12000  }
0x1d: {  	s17 =	simm.s32 $0x12800;
	s18 =	simm.s32 $0x13000;
	[dreg:$0x1d] =	wrdreg s23  }
0x1e: {  	s19 =	simm.s32 $0x13800;
	s20 =	simm.s32 $0x14000;
	[dreg:$0x1e] =	wrdreg s24  }
0x1f: {  	s21 =	simm.s32 $0x14800;
	s4 =	sadd.s32 s7, s4;
	[dreg:$0x1f] =	wrdreg s25  }
0x20: {  	s22 =	sadd.s32 s6, s5;
	s5 =	simm.s32 $0x3000;
	[smem:$0x7FD] =	sst s26  }
0x21: {  	s6 =	simm.s32 $0x3800;
	s23 =	simm.s32 $0x15800;
	[dreg:$0x6] =	wrdreg s22  }
0x22: {  	s24 =	simm.s32 $0x16000;
	s25 =	simm.s32 $0x16800;
	[dreg:$0xc] =	wrdreg s5  }
0x23: {  	s26 =	simm.s32 $0x17000;
	s7 =	sadd.s32 $0x1400, s4;
	[dreg:$0xd] =	wrdreg s6  }
0x24: {  	s4 =	sadd.s32 $0x1C00, s4;
	s22 =	sshrl.u32 s1, $0x1;
	[dreg:$0x4] =	wrdreg s7  }
0x25: {  	v2 =	vlaneseq.u32;
	s5 =	simm.s32 $0x2;
	s6 =	simm.s32 $0x800;
	[dreg:$0x5] =	wrdreg s4  }
0x26: {  	vm0 =	vmmov $0xffff;
	v1 =	vshrl.u32 v2, $0x3;
	s7 =	simm.s32 $0x4000;
	s1 =	ssub.s32 s1, s22;
	s22 =	simm.s32 $0x15000  }
0x27: {  	v0 =	vand.u32 $0x7, v2;
	v2 =	vor.u32 $0x8, v2;
	v1 =	vmul.u32 $0x8, v1;
	[dreg:$0xe] =	wrdreg s7;
	s4 =	smax.u32 s1, $0x1;
	s1 =	simm.s32 $0x1  }
.LBB2_1:
0x28: {  	s0 =	rddreg [dreg:$0x4]  }
0x29: {  	[tilespmem:s3], [sflag:$0x2] =	stream.linear.gather [hbm4b:s0+s3], $0x190, $0x38;
	[tilespmem:$0x19800] =	vst v63  }
0x2a: {  	_ =	swait.ge [sflag:s5], $0x190  }
0x2b: {  	s0 =	rddreg [dreg:$0x5];
	[sflag:s5] =	ssyncset.done $0x0  }
0x2c: {  	s7 =	rddreg [dreg:$0x7];
	[sflag:s5] =	ssyncadd.s32 $0xFFFFFE70  }
0x2d: {  	[tilespmem:s7], [sflag:$0x2] =	stream.linear.gather [hbm4b:s0+s3], $0x190, $0x38;
	[tilespmem:$0x19800] =	vst v63  }
0x2e: {  	_ =	swait.ge [sflag:s5], $0x190  }
0x2f: {  	[sflag:s5] =	ssyncset.done $0x0  }
0x30: {  	[sflag:s5] =	ssyncadd.s32 $0xFFFFFE70  }
0x31: {  	v3 =	vld [tilespmem:$0x200]  }
0x32: {  	v4 =	vld [tilespmem:$0x0]  }
0x33: {  	v5 =	vld [tilespmem:$0x210]  }
0x34: {  	v6 =	vld [tilespmem:$0x10]  }
0x35: {  	v7 =	vld [tilespmem:$0x220]  }
0x36: {  	v8 =	vld [tilespmem:$0x20]  }
0x37: {  	v9 =	vld [tilespmem:$0x230]  }
0x38: {  	v10 =	vld [tilespmem:$0x30]  }
0x39: {  	v11 =	vld [tilespmem:$0x240]  }
0x3a: {  	v12 =	vld [tilespmem:$0x40]  }
0x3b: {  	v13 =	vld [tilespmem:$0x250]  }
0x3c: {  	v14 =	vld [tilespmem:$0x50]  }
0x3d: {  	v15 =	vld [tilespmem:$0x260]  }
0x3e: {  	v16 =	vld [tilespmem:$0x60]  }
0x3f: {  	v17 =	vld [tilespmem:$0x270]  }
0x40: {  	v18 =	vld [tilespmem:$0x70]  }
0x41: {  	v19 =	vld [tilespmem:$0x280]  }
0x42: {  	v20 =	vld [tilespmem:$0x80]  }
0x43: {  	v21 =	vld [tilespmem:$0x290]  }
0x44: {  	v22 =	vld [tilespmem:$0x90]  }
0x45: {  	v23 =	vld [tilespmem:$0x2A0]  }
0x46: {  	v24 =	vld [tilespmem:$0xA0]  }
0x47: {  	v25 =	vld [tilespmem:$0x2B0]  }
0x48: {  	v26 =	vld [tilespmem:$0xB0]  }
0x49: {  	v27 =	vld [tilespmem:$0x2C0]  }
0x4a: {  	v28 =	vld [tilespmem:$0xC0]  }
0x4b: {  	v29 =	vld [tilespmem:$0x2D0]  }
0x4c: {  	v30 =	vld [tilespmem:$0xD0]  }
0x4d: {  	v31 =	vld [tilespmem:$0x2E0]  }
0x4e: {  	v32 =	vld [tilespmem:$0xE0];
	vm1 =	vlt.s32 v5, $0x0  }
0x4f: {  	v43 =	vld [tilespmem:$0x2F0];
	v5 =	vsel vm1, v6, v5;
	vm1 =	vlt.s32 v7, $0x0  }
0x50: {  	v45 =	vld [tilespmem:$0xF0];
	[tilespmem:$0x410] =	vst v5;
	v44 =	vsel vm1, v8, v7;
	vm1 =	vlt.s32 v9, $0x0  }
0x51: {  	v47 =	vld [tilespmem:$0x300];
	[tilespmem:$0x420] =	vst v44;
	v46 =	vsel vm1, v10, v9;
	vm1 =	vlt.s32 v11, $0x0  }
0x52: {  	v49 =	vld [tilespmem:$0x100];
	[tilespmem:$0x430] =	vst v46;
	v48 =	vsel vm1, v12, v11;
	vm1 =	vlt.s32 v13, $0x0  }
0x53: {  	v51 =	vld [tilespmem:$0x310];
	[tilespmem:$0x440] =	vst v48;
	v50 =	vsel vm1, v14, v13;
	vm1 =	vlt.s32 v15, $0x0  }
0x54: {  	v53 =	vld [tilespmem:$0x110];
	[tilespmem:$0x480] =	vst v50;
	v52 =	vsel vm1, v16, v15;
	vm1 =	vlt.s32 v17, $0x0  }
0x55: {  	v55 =	vld [tilespmem:$0x320];
	[tilespmem:$0x490] =	vst v52;
	v54 =	vsel vm1, v18, v17;
	vm1 =	vlt.s32 v19, $0x0  }
0x56: {  	v57 =	vld [tilespmem:$0x120];
	[tilespmem:$0x4A0] =	vst v54;
	v56 =	vsel vm1, v20, v19;
	vm1 =	vlt.s32 v21, $0x0  }
0x57: {  	v59 =	vld [tilespmem:$0x330];
	[tilespmem:$0x4B0] =	vst v56;
	v58 =	vsel vm1, v22, v21;
	vm1 =	vlt.s32 v23, $0x0  }
0x58: {  	v61 =	vld [tilespmem:$0x130];
	[tilespmem:$0x4C0] =	vst v58;
	v60 =	vsel vm1, v24, v23;
	vm1 =	vlt.s32 v25, $0x0  }
0x59: {  	v23 =	vld [tilespmem:$0x350];
	[tilespmem:$0x500] =	vst v60;
	v62 =	vsel vm1, v26, v25;
	vm1 =	vlt.s32 v27, $0x0  }
0x5a: {  	v63 =	vld [tilespmem:$0x340];
	vm2 =	vlt.s32 v47, $0x0;
	[tilespmem:$0x510] =	vst v62;
	v20 =	vsel vm1, v28, v27  }
0x5b: {  	v25 =	vld [tilespmem:$0x150];
	vm1 =	vlt.s32 v29, $0x0;
	v27 =	vsel vm2, v49, v47;
	[tilespmem:$0x520] =	vst v20  }
0x5c: {  	v35 =	vld [tilespmem:$0x380];
	vm2 =	vlt.s32 v59, $0x0;
	v22 =	vsel vm1, v30, v29;
	vm1 =	vlt.s32 v31, $0x0;
	[tilespmem:$0x590] =	vst v27  }
0x5d: {  	v21 =	vld [tilespmem:$0x140];
	v34 =	vsel vm2, v61, v59;
	v24 =	vsel vm1, v32, v31;
	vm1 =	vlt.s32 v3, $0x0;
	[tilespmem:$0x530] =	vst v22  }
0x5e: {  	v26 =	vld [tilespmem:$0x360];
	[tilespmem:$0x5C0] =	vst v34;
	v3 =	vsel vm1, v4, v3;
	vm1 =	vlt.s32 v43, $0x0;
	vm2 =	vlt.s32 v23, $0x0  }
0x5f: {  	v28 =	vld [tilespmem:$0x160];
	[tilespmem:$0x540] =	vst v24;
	v6 =	vsel vm1, v45, v43;
	vm1 =	vlt.s32 v51, $0x0;
	v31 =	vshll.u32 v3, $0x1  }
0x60: {  	v30 =	vld [tilespmem:$0x370];
	[tilespmem:$0x400] =	vst v3;
	v3 =	vand.u32 $0x7, v3;
	v5 =	vsel vm2, v25, v23;
	v10 =	vand.u32 $0xFFFFFFF0, v31  }
0x61: {  	v32 =	vld [tilespmem:$0x170];
	[tilespmem:$0x580] =	vst v6;
	v29 =	vsel vm1, v53, v51;
	vm1 =	vlt.s32 v55, $0x0;
	v3 =	vor.u32 v3, v10  }
0x62: {  	v36 =	vld [tilespmem:$0x180];
	[tilespmem:$0x610] =	vst v5;
	v33 =	vsel vm1, v57, v55;
	vm1 =	vlt.s32 v63, $0x0;
	v10 =	vperm.xlane v3, v0  }
0x63: {  	[tilespmem:$0x5A0] =	vst v29;
	v37 =	vsel vm1, v21, v63  }
0x64: {  	[tilespmem:$0x5B0] =	vst v33;
	vm1 =	vlt.s32 v26, $0x0;
	v3 =	vperm.xlane v3, v2;
	v10 =	vadd.s32 v1, v10  }
0x65: {  	[tilespmem:$0x600] =	vst v37;
	v4 =	vsel vm1, v28, v26;
	vm1 =	vlt.s32 v30, $0x0  }
0x66: {  	[tilespmem:$0x620] =	vst v4;
	v38 =	vsel vm1, v32, v30;
	vm1 =	vlt.s32 v35, $0x0;
	v3 =	vadd.s32 v1, v3  }
0x67: {  	[tilespmem:$0x630] =	vst v38;
	v39 =	vsel vm1, v36, v35  }
0x68: {  	[tilespmem:$0x640] =	vst v39  }
0x69: {  	[tilespmem:s6], [sflag:$0x1] =	stream.indirect_vreg.gather [hbm4b:s2+s3], $0x80, v10, vm0, $0xb8;
	[tilespmem:$0x19800] =	vst v63  }
0x6a: {  	s7 =	rddreg [dreg:$0x8]  }
0x6b: {  	[tilespmem:s7], [sflag:$0x1] =	stream.indirect_vreg.gather [hbm4b:s2+s3], $0x80, v3, vm0, $0xb8;
	[tilespmem:$0x19800] =	vst v63  }
0x6c: {  	v3 =	vld [tilespmem:$0x410];
	_ =	sdelay $0x4  }
0x6d: {  	v40 =	vshll.u32 v3, $0x1  }
0x6e: {  	v3 =	vand.u32 $0x7, v3;
	v4 =	vand.u32 $0xFFFFFFF0, v40  }
0x6f: {  	v3 =	vor.u32 v3, v4  }
0x70: {  	v4 =	vperm.xlane v3, v0;
	_ =	sdelay $0x1  }
0x71: {  	v3 =	vperm.xlane v3, v2;
	v4 =	vadd.s32 v1, v4;
	_ =	sdelay $0x1  }
0x72: {  	v3 =	vadd.s32 v1, v3;
	_ =	sdelay $0x1  }
0x73: {  	s0 =	rddreg [dreg:$0x9]  }
0x74: {  	[tilespmem:s0], [sflag:$0x1] =	stream.indirect_vreg.gather [hbm4b:s2+s3], $0x80, v4, vm0, $0xb8;
	[tilespmem:$0x19800] =	vst v63  }
0x75: {  	s7 =	rddreg [dreg:$0xa]  }
0x76: {  	[tilespmem:s7], [sflag:$0x1] =	stream.indirect_vreg.gather [hbm4b:s2+s3], $0x80, v3, vm0, $0xb8;
	[tilespmem:$0x19800] =	vst v63  }
0x77: {  	v3 =	vld [tilespmem:$0x420];
	_ =	sdelay $0x4  }
0x78: {  	v41 =	vshll.u32 v3, $0x1  }
0x79: {  	v3 =	vand.u32 $0x7, v3;
	v4 =	vand.u32 $0xFFFFFFF0, v41  }
0x7a: {  	v3 =	vor.u32 v3, v4  }
0x7b: {  	v4 =	vperm.xlane v3, v0;
	_ =	sdelay $0x1  }
0x7c: {  	v3 =	vperm.xlane v3, v2;
	v4 =	vadd.s32 v1, v4;
	_ =	sdelay $0x1  }
0x7d: {  	v3 =	vadd.s32 v1, v3;
	_ =	sdelay $0x1  }
0x7e: {  	s0 =	rddreg [dreg:$0xb]  }
0x7f: {  	[tilespmem:s0], [sflag:$0x1] =	stream.indirect_vreg.gather [hbm4b:s2+s3], $0x80, v4, vm0, $0xb8;
	[tilespmem:$0x19800] =	vst v63  }
0x80: {  	s7 =	rddreg [dreg:$0xc]  }
0x81: {  	[tilespmem:s7], [sflag:$0x1] =	stream.indirect_vreg.gather [hbm4b:s2+s3], $0x80, v3, vm0, $0xb8;
	[tilespmem:$0x19800] =	vst v63  }
0x82: {  	v3 =	vld [tilespmem:$0x430];
	_ =	sdelay $0x4  }
0x83: {  	v42 =	vshll.u32 v3, $0x1  }
0x84: {  	v3 =	vand.u32 $0x7, v3;
	v4 =	vand.u32 $0xFFFFFFF0, v42  }
0x85: {  	v3 =	vor.u32 v3, v4  }
0x86: {  	v4 =	vperm.xlane v3, v0;
	_ =	sdelay $0x1  }
0x87: {  	v3 =	vperm.xlane v3, v2;
	v4 =	vadd.s32 v1, v4;
	_ =	sdelay $0x1  }
0x88: {  	v3 =	vadd.s32 v1, v3;
	_ =	sdelay $0x1  }
0x89: {  	s0 =	rddreg [dreg:$0xd]  }
0x8a: {  	[tilespmem:s0], [sflag:$0x1] =	stream.indirect_vreg.gather [hbm4b:s2+s3], $0x80, v4, vm0, $0xb8;
	[tilespmem:$0x19800] =	vst v63  }
0x8b: {  	s7 =	rddreg [dreg:$0xe]  }
0x8c: {  	[tilespmem:s7], [sflag:$0x1] =	stream.indirect_vreg.gather [hbm4b:s2+s3], $0x80, v3, vm0, $0xb8;
	[tilespmem:$0x19800] =	vst v63  }
0x8d: {  	v3 =	vld [tilespmem:$0x440];
	_ =	sdelay $0x4  }
0x8e: {  	v43 =	vshll.u32 v3, $0x1  }
0x8f: {  	v3 =	vand.u32 $0x7, v3;
	v4 =	vand.u32 $0xFFFFFFF0, v43  }
0x90: {  	v3 =	vor.u32 v3, v4  }
0x91: {  	v4 =	vperm.xlane v3, v0;
	_ =	sdelay $0x1  }
0x92: {  	v3 =	vperm.xlane v3, v2;
	v4 =	vadd.s32 v1, v4;
	_ =	sdelay $0x1  }
0x93: {  	v3 =	vadd.s32 v1, v3;
	_ =	sdelay $0x1  }
0x94: {  	s0 =	rddreg [dreg:$0xf]  }
0x95: {  	[tilespmem:s0], [sflag:$0x1] =	stream.indirect_vreg.gather [hbm4b:s2+s3], $0x80, v4, vm0, $0xb8;
	[tilespmem:$0x19800] =	vst v63  }
0x96: {  	s7 =	rddreg [dreg:$0x10]  }
0x97: {  	[tilespmem:s7], [sflag:$0x1] =	stream.indirect_vreg.gather [hbm4b:s2+s3], $0x80, v3, vm0, $0xb8;
	[tilespmem:$0x19800] =	vst v63  }
0x98: {  	v3 =	vld [tilespmem:$0x480];
	_ =	sdelay $0x4  }
0x99: {  	v44 =	vshll.u32 v3, $0x1  }
0x9a: {  	v3 =	vand.u32 $0x7, v3;
	v4 =	vand.u32 $0xFFFFFFF0, v44  }
0x9b: {  	v3 =	vor.u32 v3, v4  }
0x9c: {  	v4 =	vperm.xlane v3, v0;
	_ =	sdelay $0x1  }
0x9d: {  	v3 =	vperm.xlane v3, v2;
	v4 =	vadd.s32 v1, v4;
	_ =	sdelay $0x1  }
0x9e: {  	v3 =	vadd.s32 v1, v3;
	_ =	sdelay $0x1  }
0x9f: {  	s0 =	rddreg [dreg:$0x11]  }
0xa0: {  	[tilespmem:s0], [sflag:$0x1] =	stream.indirect_vreg.gather [hbm4b:s2+s3], $0x80, v4, vm0, $0xb8;
	[tilespmem:$0x19800] =	vst v63  }
0xa1: {  	s7 =	rddreg [dreg:$0x12]  }
0xa2: {  	[tilespmem:s7], [sflag:$0x1] =	stream.indirect_vreg.gather [hbm4b:s2+s3], $0x80, v3, vm0, $0xb8;
	[tilespmem:$0x19800] =	vst v63  }
0xa3: {  	v3 =	vld [tilespmem:$0x490];
	_ =	sdelay $0x4  }
0xa4: {  	v45 =	vshll.u32 v3, $0x1  }
0xa5: {  	v3 =	vand.u32 $0x7, v3;
	v4 =	vand.u32 $0xFFFFFFF0, v45  }
0xa6: {  	v3 =	vor.u32 v3, v4  }
0xa7: {  	v4 =	vperm.xlane v3, v0;
	_ =	sdelay $0x1  }
0xa8: {  	v3 =	vperm.xlane v3, v2;
	v4 =	vadd.s32 v1, v4;
	_ =	sdelay $0x1  }
0xa9: {  	v3 =	vadd.s32 v1, v3;
	_ =	sdelay $0x1  }
0xaa: {  	s0 =	rddreg [dreg:$0x13]  }
0xab: {  	[tilespmem:s0], [sflag:$0x1] =	stream.indirect_vreg.gather [hbm4b:s2+s3], $0x80, v4, vm0, $0xb8;
	[tilespmem:$0x19800] =	vst v63  }
0xac: {  	s7 =	rddreg [dreg:$0x14]  }
0xad: {  	[tilespmem:s7], [sflag:$0x1] =	stream.indirect_vreg.gather [hbm4b:s2+s3], $0x80, v3, vm0, $0xb8;
	[tilespmem:$0x19800] =	vst v63  }
0xae: {  	v3 =	vld [tilespmem:$0x4A0];
	_ =	sdelay $0x4  }
0xaf: {  	v46 =	vshll.u32 v3, $0x1  }
0xb0: {  	v3 =	vand.u32 $0x7, v3;
	v4 =	vand.u32 $0xFFFFFFF0, v46  }
0xb1: {  	v3 =	vor.u32 v3, v4  }
0xb2: {  	v4 =	vperm.xlane v3, v0;
	_ =	sdelay $0x1  }
0xb3: {  	v3 =	vperm.xlane v3, v2;
	v4 =	vadd.s32 v1, v4;
	_ =	sdelay $0x1  }
0xb4: {  	v3 =	vadd.s32 v1, v3;
	_ =	sdelay $0x1  }
0xb5: {  	s0 =	rddreg [dreg:$0x15]  }
0xb6: {  	[tilespmem:s0], [sflag:$0x1] =	stream.indirect_vreg.gather [hbm4b:s2+s3], $0x80, v4, vm0, $0xb8;
	[tilespmem:$0x19800] =	vst v63  }
0xb7: {  	s7 =	rddreg [dreg:$0x16]  }
0xb8: {  	[tilespmem:s7], [sflag:$0x1] =	stream.indirect_vreg.gather [hbm4b:s2+s3], $0x80, v3, vm0, $0xb8;
	[tilespmem:$0x19800] =	vst v63  }
0xb9: {  	v3 =	vld [tilespmem:$0x4B0];
	_ =	sdelay $0x4  }
0xba: {  	v47 =	vshll.u32 v3, $0x1  }
0xbb: {  	v3 =	vand.u32 $0x7, v3;
	v4 =	vand.u32 $0xFFFFFFF0, v47  }
0xbc: {  	v3 =	vor.u32 v3, v4  }
0xbd: {  	v4 =	vperm.xlane v3, v0;
	_ =	sdelay $0x1  }
0xbe: {  	v3 =	vperm.xlane v3, v2;
	v4 =	vadd.s32 v1, v4;
	_ =	sdelay $0x1  }
0xbf: {  	v3 =	vadd.s32 v1, v3;
	_ =	sdelay $0x1  }
0xc0: {  	s0 =	rddreg [dreg:$0x17]  }
0xc1: {  	[tilespmem:s0], [sflag:$0x1] =	stream.indirect_vreg.gather [hbm4b:s2+s3], $0x80, v4, vm0, $0xb8;
	[tilespmem:$0x19800] =	vst v63  }
0xc2: {  	s7 =	rddreg [dreg:$0x18]  }
0xc3: {  	[tilespmem:s7], [sflag:$0x1] =	stream.indirect_vreg.gather [hbm4b:s2+s3], $0x80, v3, vm0, $0xb8;
	[tilespmem:$0x19800] =	vst v63  }
0xc4: {  	v3 =	vld [tilespmem:$0x4C0];
	_ =	sdelay $0x4  }
0xc5: {  	v48 =	vshll.u32 v3, $0x1  }
0xc6: {  	v3 =	vand.u32 $0x7, v3;
	v4 =	vand.u32 $0xFFFFFFF0, v48  }
0xc7: {  	v3 =	vor.u32 v3, v4  }
0xc8: {  	v4 =	vperm.xlane v3, v0;
	_ =	sdelay $0x1  }
0xc9: {  	v3 =	vperm.xlane v3, v2;
	v4 =	vadd.s32 v1, v4;
	_ =	sdelay $0x1  }
0xca: {  	v3 =	vadd.s32 v1, v3;
	_ =	sdelay $0x1  }
0xcb: {  	s0 =	rddreg [dreg:$0x19]  }
0xcc: {  	[tilespmem:s0], [sflag:$0x1] =	stream.indirect_vreg.gather [hbm4b:s2+s3], $0x80, v4, vm0, $0xb8;
	[tilespmem:$0x19800] =	vst v63  }
0xcd: {  	s7 =	rddreg [dreg:$0x1a]  }
0xce: {  	[tilespmem:s7], [sflag:$0x1] =	stream.indirect_vreg.gather [hbm4b:s2+s3], $0x80, v3, vm0, $0xb8;
	[tilespmem:$0x19800] =	vst v63  }
0xcf: {  	v3 =	vld [tilespmem:$0x500];
	_ =	sdelay $0x4  }
0xd0: {  	v49 =	vshll.u32 v3, $0x1  }
0xd1: {  	v3 =	vand.u32 $0x7, v3;
	v4 =	vand.u32 $0xFFFFFFF0, v49  }
0xd2: {  	v3 =	vor.u32 v3, v4  }
0xd3: {  	v4 =	vperm.xlane v3, v0;
	_ =	sdelay $0x1  }
0xd4: {  	v3 =	vperm.xlane v3, v2;
	v4 =	vadd.s32 v1, v4;
	_ =	sdelay $0x1  }
0xd5: {  	v3 =	vadd.s32 v1, v3;
	_ =	sdelay $0x1  }
0xd6: {  	s0 =	rddreg [dreg:$0x1b]  }
0xd7: {  	[tilespmem:s0], [sflag:$0x1] =	stream.indirect_vreg.gather [hbm4b:s2+s3], $0x80, v4, vm0, $0xb8;
	[tilespmem:$0x19800] =	vst v63  }
0xd8: {  	s7 =	rddreg [dreg:$0x1c]  }
0xd9: {  	[tilespmem:s7], [sflag:$0x1] =	stream.indirect_vreg.gather [hbm4b:s2+s3], $0x80, v3, vm0, $0xb8;
	[tilespmem:$0x19800] =	vst v63  }
0xda: {  	v3 =	vld [tilespmem:$0x510];
	_ =	sdelay $0x4  }
0xdb: {  	v50 =	vshll.u32 v3, $0x1  }
0xdc: {  	v3 =	vand.u32 $0x7, v3;
	v4 =	vand.u32 $0xFFFFFFF0, v50  }
0xdd: {  	v3 =	vor.u32 v3, v4  }
0xde: {  	v4 =	vperm.xlane v3, v0;
	_ =	sdelay $0x1  }
0xdf: {  	v3 =	vperm.xlane v3, v2;
	v4 =	vadd.s32 v1, v4;
	_ =	sdelay $0x1  }
0xe0: {  	v3 =	vadd.s32 v1, v3;
	_ =	sdelay $0x1  }
0xe1: {  	s0 =	rddreg [dreg:$0x1d]  }
0xe2: {  	[tilespmem:s0], [sflag:$0x1] =	stream.indirect_vreg.gather [hbm4b:s2+s3], $0x80, v4, vm0, $0xb8;
	[tilespmem:$0x19800] =	vst v63  }
0xe3: {  	s7 =	rddreg [dreg:$0x1e]  }
0xe4: {  	[tilespmem:s7], [sflag:$0x1] =	stream.indirect_vreg.gather [hbm4b:s2+s3], $0x80, v3, vm0, $0xb8;
	[tilespmem:$0x19800] =	vst v63  }
0xe5: {  	v3 =	vld [tilespmem:$0x520];
	_ =	sdelay $0x4  }
0xe6: {  	v51 =	vshll.u32 v3, $0x1  }
0xe7: {  	v3 =	vand.u32 $0x7, v3;
	v4 =	vand.u32 $0xFFFFFFF0, v51  }
0xe8: {  	v3 =	vor.u32 v3, v4  }
0xe9: {  	v4 =	vperm.xlane v3, v0;
	_ =	sdelay $0x1  }
0xea: {  	v3 =	vperm.xlane v3, v2;
	v4 =	vadd.s32 v1, v4;
	_ =	sdelay $0x1  }
0xeb: {  	v3 =	vadd.s32 v1, v3  }
0xec: {  	s0 =	rddreg [dreg:$0x1f]  }
0xed: {  	s7 =	sld [smem:$0x7FD]  }
0xee: {  	[tilespmem:s0], [sflag:$0x1] =	stream.indirect_vreg.gather [hbm4b:s2+s3], $0x80, v4, vm0, $0xb8;
	[tilespmem:$0x19800] =	vst v63  }
0xef: {  	_ = 	snop  }
0xf0: {  	[tilespmem:s7], [sflag:$0x1] =	stream.indirect_vreg.gather [hbm4b:s2+s3], $0x80, v3, vm0, $0xb8;
	[tilespmem:$0x19800] =	vst v63  }
0xf1: {  	v3 =	vld [tilespmem:$0x530];
	_ =	sdelay $0x4  }
0xf2: {  	v52 =	vshll.u32 v3, $0x1  }
0xf3: {  	v3 =	vand.u32 $0x7, v3;
	v4 =	vand.u32 $0xFFFFFFF0, v52  }
0xf4: {  	v3 =	vor.u32 v3, v4  }
0xf5: {  	v4 =	vperm.xlane v3, v0;
	_ =	sdelay $0x1  }
0xf6: {  	v3 =	vperm.xlane v3, v2;
	v4 =	vadd.s32 v1, v4;
	_ =	sdelay $0x1  }
0xf7: {  	v3 =	vadd.s32 v1, v3;
	_ =	sdelay $0x1  }
0xf8: {  	s7 =	simm.s32 $0xD800  }
0xf9: {  	[tilespmem:s7], [sflag:$0x1] =	stream.indirect_vreg.gather [hbm4b:s2+s3], $0x80, v4, vm0, $0xb8;
	[tilespmem:$0x19800] =	vst v63  }
0xfa: {  	_ = 	snop  }
0xfb: {  	[tilespmem:s8], [sflag:$0x1] =	stream.indirect_vreg.gather [hbm4b:s2+s3], $0x80, v3, vm0, $0xb8;
	[tilespmem:$0x19800] =	vst v63  }
0xfc: {  	v3 =	vld [tilespmem:$0x540];
	_ =	sdelay $0x4  }
0xfd: {  	v53 =	vshll.u32 v3, $0x1  }
0xfe: {  	v3 =	vand.u32 $0x7, v3;
	v4 =	vand.u32 $0xFFFFFFF0, v53  }
0xff: {  	v3 =	vor.u32 v3, v4  }
0x100: {  	v4 =	vperm.xlane v3, v0;
	_ =	sdelay $0x1  }
0x101: {  	v3 =	vperm.xlane v3, v2;
	v4 =	vadd.s32 v1, v4;
	_ =	sdelay $0x1  }
0x102: {  	v3 =	vadd.s32 v1, v3;
	_ =	sdelay $0x2  }
0x103: {  	[tilespmem:s9], [sflag:$0x1] =	stream.indirect_vreg.gather [hbm4b:s2+s3], $0x80, v4, vm0, $0xb8;
	[tilespmem:$0x19800] =	vst v63  }
0x104: {  	_ = 	snop  }
0x105: {  	[tilespmem:s10], [sflag:$0x1] =	stream.indirect_vreg.gather [hbm4b:s2+s3], $0x80, v3, vm0, $0xb8;
	[tilespmem:$0x19800] =	vst v63  }
0x106: {  	v3 =	vld [tilespmem:$0x580];
	_ =	sdelay $0x4  }
0x107: {  	v54 =	vshll.u32 v3, $0x1  }
0x108: {  	v3 =	vand.u32 $0x7, v3;
	v4 =	vand.u32 $0xFFFFFFF0, v54  }
0x109: {  	v3 =	vor.u32 v3, v4  }
0x10a: {  	v4 =	vperm.xlane v3, v0;
	_ =	sdelay $0x1  }
0x10b: {  	v3 =	vperm.xlane v3, v2;
	v4 =	vadd.s32 v1, v4;
	_ =	sdelay $0x1  }
0x10c: {  	v3 =	vadd.s32 v1, v3;
	_ =	sdelay $0x2  }
0x10d: {  	[tilespmem:s11], [sflag:$0x1] =	stream.indirect_vreg.gather [hbm4b:s2+s3], $0x80, v4, vm0, $0xb8;
	[tilespmem:$0x19800] =	vst v63  }
0x10e: {  	_ = 	snop  }
0x10f: {  	[tilespmem:s12], [sflag:$0x1] =	stream.indirect_vreg.gather [hbm4b:s2+s3], $0x80, v3, vm0, $0xb8;
	[tilespmem:$0x19800] =	vst v63  }
0x110: {  	v3 =	vld [tilespmem:$0x590];
	_ =	sdelay $0x4  }
0x111: {  	v55 =	vshll.u32 v3, $0x1  }
0x112: {  	v3 =	vand.u32 $0x7, v3;
	v4 =	vand.u32 $0xFFFFFFF0, v55  }
0x113: {  	v3 =	vor.u32 v3, v4  }
0x114: {  	v4 =	vperm.xlane v3, v0;
	_ =	sdelay $0x1  }
0x115: {  	v3 =	vperm.xlane v3, v2;
	v4 =	vadd.s32 v1, v4;
	_ =	sdelay $0x1  }
0x116: {  	v3 =	vadd.s32 v1, v3;
	_ =	sdelay $0x2  }
0x117: {  	[tilespmem:s13], [sflag:$0x1] =	stream.indirect_vreg.gather [hbm4b:s2+s3], $0x80, v4, vm0, $0xb8;
	[tilespmem:$0x19800] =	vst v63  }
0x118: {  	_ = 	snop  }
0x119: {  	[tilespmem:s14], [sflag:$0x1] =	stream.indirect_vreg.gather [hbm4b:s2+s3], $0x80, v3, vm0, $0xb8;
	[tilespmem:$0x19800] =	vst v63  }
0x11a: {  	v3 =	vld [tilespmem:$0x5A0];
	_ =	sdelay $0x4  }
0x11b: {  	v56 =	vshll.u32 v3, $0x1  }
0x11c: {  	v3 =	vand.u32 $0x7, v3;
	v4 =	vand.u32 $0xFFFFFFF0, v56  }
0x11d: {  	v3 =	vor.u32 v3, v4  }
0x11e: {  	v4 =	vperm.xlane v3, v0;
	_ =	sdelay $0x1  }
0x11f: {  	v3 =	vperm.xlane v3, v2;
	v4 =	vadd.s32 v1, v4;
	_ =	sdelay $0x1  }
0x120: {  	v3 =	vadd.s32 v1, v3;
	_ =	sdelay $0x2  }
0x121: {  	[tilespmem:s15], [sflag:$0x1] =	stream.indirect_vreg.gather [hbm4b:s2+s3], $0x80, v4, vm0, $0xb8;
	[tilespmem:$0x19800] =	vst v63  }
0x122: {  	_ = 	snop  }
0x123: {  	[tilespmem:s16], [sflag:$0x1] =	stream.indirect_vreg.gather [hbm4b:s2+s3], $0x80, v3, vm0, $0xb8;
	[tilespmem:$0x19800] =	vst v63  }
0x124: {  	v3 =	vld [tilespmem:$0x5B0];
	_ =	sdelay $0x4  }
0x125: {  	v57 =	vshll.u32 v3, $0x1  }
0x126: {  	v3 =	vand.u32 $0x7, v3;
	v4 =	vand.u32 $0xFFFFFFF0, v57  }
0x127: {  	v3 =	vor.u32 v3, v4  }
0x128: {  	v4 =	vperm.xlane v3, v0;
	_ =	sdelay $0x1  }
0x129: {  	v3 =	vperm.xlane v3, v2;
	v4 =	vadd.s32 v1, v4;
	_ =	sdelay $0x1  }
0x12a: {  	v3 =	vadd.s32 v1, v3;
	_ =	sdelay $0x2  }
0x12b: {  	[tilespmem:s17], [sflag:$0x1] =	stream.indirect_vreg.gather [hbm4b:s2+s3], $0x80, v4, vm0, $0xb8;
	[tilespmem:$0x19800] =	vst v63  }
0x12c: {  	_ = 	snop  }
0x12d: {  	[tilespmem:s18], [sflag:$0x1] =	stream.indirect_vreg.gather [hbm4b:s2+s3], $0x80, v3, vm0, $0xb8;
	[tilespmem:$0x19800] =	vst v63  }
0x12e: {  	v3 =	vld [tilespmem:$0x5C0];
	_ =	sdelay $0x4  }
0x12f: {  	v58 =	vshll.u32 v3, $0x1  }
0x130: {  	v3 =	vand.u32 $0x7, v3;
	v4 =	vand.u32 $0xFFFFFFF0, v58  }
0x131: {  	v3 =	vor.u32 v3, v4  }
0x132: {  	v4 =	vperm.xlane v3, v0;
	_ =	sdelay $0x1  }
0x133: {  	v3 =	vperm.xlane v3, v2;
	v4 =	vadd.s32 v1, v4;
	_ =	sdelay $0x1  }
0x134: {  	v3 =	vadd.s32 v1, v3;
	_ =	sdelay $0x2  }
0x135: {  	[tilespmem:s19], [sflag:$0x1] =	stream.indirect_vreg.gather [hbm4b:s2+s3], $0x80, v4, vm0, $0xb8;
	[tilespmem:$0x19800] =	vst v63  }
0x136: {  	_ = 	snop  }
0x137: {  	[tilespmem:s20], [sflag:$0x1] =	stream.indirect_vreg.gather [hbm4b:s2+s3], $0x80, v3, vm0, $0xb8;
	[tilespmem:$0x19800] =	vst v63  }
0x138: {  	v3 =	vld [tilespmem:$0x600];
	_ =	sdelay $0x4  }
0x139: {  	v59 =	vshll.u32 v3, $0x1  }
0x13a: {  	v3 =	vand.u32 $0x7, v3;
	v4 =	vand.u32 $0xFFFFFFF0, v59  }
0x13b: {  	v3 =	vor.u32 v3, v4  }
0x13c: {  	v4 =	vperm.xlane v3, v0;
	_ =	sdelay $0x1  }
0x13d: {  	v3 =	vperm.xlane v3, v2;
	v4 =	vadd.s32 v1, v4;
	_ =	sdelay $0x1  }
0x13e: {  	v3 =	vadd.s32 v1, v3;
	_ =	sdelay $0x2  }
0x13f: {  	[tilespmem:s21], [sflag:$0x1] =	stream.indirect_vreg.gather [hbm4b:s2+s3], $0x80, v4, vm0, $0xb8;
	[tilespmem:$0x19800] =	vst v63  }
0x140: {  	_ = 	snop  }
0x141: {  	[tilespmem:s22], [sflag:$0x1] =	stream.indirect_vreg.gather [hbm4b:s2+s3], $0x80, v3, vm0, $0xb8;
	[tilespmem:$0x19800] =	vst v63  }
0x142: {  	v3 =	vld [tilespmem:$0x610];
	_ =	sdelay $0x4  }
0x143: {  	v60 =	vshll.u32 v3, $0x1  }
0x144: {  	v3 =	vand.u32 $0x7, v3;
	v4 =	vand.u32 $0xFFFFFFF0, v60  }
0x145: {  	v3 =	vor.u32 v3, v4  }
0x146: {  	v4 =	vperm.xlane v3, v0;
	_ =	sdelay $0x1  }
0x147: {  	v3 =	vperm.xlane v3, v2;
	v4 =	vadd.s32 v1, v4;
	_ =	sdelay $0x1  }
0x148: {  	v3 =	vadd.s32 v1, v3;
	_ =	sdelay $0x2  }
0x149: {  	[tilespmem:s23], [sflag:$0x1] =	stream.indirect_vreg.gather [hbm4b:s2+s3], $0x80, v4, vm0, $0xb8;
	[tilespmem:$0x19800] =	vst v63  }
0x14a: {  	_ = 	snop  }
0x14b: {  	[tilespmem:s24], [sflag:$0x1] =	stream.indirect_vreg.gather [hbm4b:s2+s3], $0x80, v3, vm0, $0xb8;
	[tilespmem:$0x19800] =	vst v63  }
0x14c: {  	v3 =	vld [tilespmem:$0x620];
	_ =	sdelay $0x4  }
0x14d: {  	v61 =	vshll.u32 v3, $0x1  }
0x14e: {  	v3 =	vand.u32 $0x7, v3;
	v4 =	vand.u32 $0xFFFFFFF0, v61  }
0x14f: {  	v3 =	vor.u32 v3, v4  }
0x150: {  	v4 =	vperm.xlane v3, v0;
	_ =	sdelay $0x1  }
0x151: {  	v3 =	vperm.xlane v3, v2;
	v4 =	vadd.s32 v1, v4;
	_ =	sdelay $0x1  }
0x152: {  	v3 =	vadd.s32 v1, v3;
	_ =	sdelay $0x2  }
0x153: {  	[tilespmem:s25], [sflag:$0x1] =	stream.indirect_vreg.gather [hbm4b:s2+s3], $0x80, v4, vm0, $0xb8;
	[tilespmem:$0x19800] =	vst v63  }
0x154: {  	_ = 	snop  }
0x155: {  	[tilespmem:s26], [sflag:$0x1] =	stream.indirect_vreg.gather [hbm4b:s2+s3], $0x80, v3, vm0, $0xb8;
	[tilespmem:$0x19800] =	vst v63  }
0x156: {  	v3 =	vld [tilespmem:$0x630];
	_ =	sdelay $0x4  }
0x157: {  	v62 =	vshll.u32 v3, $0x1  }
0x158: {  	v3 =	vand.u32 $0x7, v3;
	v4 =	vand.u32 $0xFFFFFFF0, v62  }
0x159: {  	v3 =	vor.u32 v3, v4  }
0x15a: {  	v4 =	vperm.xlane v3, v0;
	_ =	sdelay $0x1  }
0x15b: {  	v3 =	vperm.xlane v3, v2;
	v4 =	vadd.s32 v1, v4;
	_ =	sdelay $0x1  }
0x15c: {  	v3 =	vadd.s32 v1, v3;
	_ =	sdelay $0x2  }
0x15d: {  	[tilespmem:s28], [sflag:$0x1] =	stream.indirect_vreg.gather [hbm4b:s2+s3], $0x80, v4, vm0, $0xb8;
	[tilespmem:$0x19800] =	vst v63  }
0x15e: {  	_ = 	snop  }
0x15f: {  	[tilespmem:s29], [sflag:$0x1] =	stream.indirect_vreg.gather [hbm4b:s2+s3], $0x80, v3, vm0, $0xb8;
	[tilespmem:$0x19800] =	vst v63  }
0x160: {  	v3 =	vld [tilespmem:$0x640];
	_ =	sdelay $0x4  }
0x161: {  	v63 =	vshll.u32 v3, $0x1  }
0x162: {  	v3 =	vand.u32 $0x7, v3;
	v4 =	vand.u32 $0xFFFFFFF0, v63  }
0x163: {  	v3 =	vor.u32 v3, v4  }
0x164: {  	v4 =	vperm.xlane v3, v0;
	_ =	sdelay $0x1  }
0x165: {  	v3 =	vperm.xlane v3, v2;
	v4 =	vadd.s32 v1, v4;
	_ =	sdelay $0x1  }
0x166: {  	v3 =	vadd.s32 v1, v3;
	_ =	sdelay $0x2  }
0x167: {  	[tilespmem:s30], [sflag:$0x1] =	stream.indirect_vreg.gather [hbm4b:s2+s3], $0x80, v4, vm0, $0xb8;
	[tilespmem:$0x19800] =	vst v63  }
0x168: {  	_ = 	snop  }
0x169: {  	[tilespmem:s31], [sflag:$0x1] =	stream.indirect_vreg.gather [hbm4b:s2+s3], $0x80, v3, vm0, $0xb8;
	[tilespmem:$0x19800] =	vst v63  }
0x16a: {  	_ =	swait.ge [sflag:s1], $0x5000  }
0x16b: {  	[sflag:s1] =	ssyncset.done $0x0  }
0x16c: {  	[sflag:s1] =	ssyncadd.s32 $0xFFFFB000  }
0x16d: {  	_ =	swait.ge [sflag:s1], $0x5000  }
0x16e: {  	[sflag:s1] =	ssyncset.done $0x0  }
0x16f: {  	[sflag:s1] =	ssyncadd.s32 $0xFFFFB000  }
0x170: {  	_ =	swait.ge [sflag:s1], $0x5000  }
0x171: {  	[sflag:s1] =	ssyncset.done $0x0  }
0x172: {  	[sflag:s1] =	ssyncadd.s32 $0xFFFFB000  }
0x173: {  	_ =	swait.ge [sflag:s1], $0x5000  }
0x174: {  	[sflag:s1] =	ssyncset.done $0x0  }
0x175: {  	[sflag:s1] =	ssyncadd.s32 $0xFFFFB000  }
0x176: {  	_ =	swait.ge [sflag:s1], $0x5000  }
0x177: {  	p0 =	sne.s32 s4, $0x1;
	[sflag:s1] =	ssyncset.done $0x0  }
.Ltmp0:
0x178: {  	s7 =	rddreg [dreg:$0x6];
	[sflag:s1] =	ssyncadd.s32 $0xFFFFB000;
	(pc) =	sbr.rel @p0 .LBB2_1-.Ltmp0, $4  }
0x179: {  	[hbm4b:s7+s3] =	stream.linear.scatter [tilespmem:s6], [sflag:$0x2], $0x19000, $0x38;
	[tilespmem:$0x19800] =	vst v63  }
0x17a: {  	_ =	swait.ge [sflag:s5], $0x19000  }
0x17b: {  	[sflag:s5] =	ssyncset.done $0x0  }
0x17c: {  	s4 =	sadd.s32 $0xFFFFFFFF, s4;
	[sflag:s5] =	ssyncadd.s32 $0xFFFE7000  }
0x17d: {  	_ =	sfence.sel $0x180000  }
0x17e: {  	[bflag:$0x0] =	sbarrier.arrive $0xFFFF  }
0x17f: {  	_ =	strace $0x90000047  }
0x180: {  	s0 =	stileid.u32;
	[bflag:$0x2] =	sbarrier.arrive $0xFFFF  }
0x181: {  	p0 =	sne.s32 s0, $0x0;
	s0 =	rddreg [dreg:$0x3]  }
0x182: {  	s0 =	sadd.s32 @!p0 $0x100000, s0  }
0x183: {  	[sflag:s0] =	ssyncadd.tile.s32 @!p0 $0x1;
	_ =	shalt  }
.Lfunc_end2:
_tile_overlayer_lowered:
.L_overlay_start_2:
0x184: {  	(tag) =	ssettag $0x2  }
0x185: {  	s0 =	rddreg [dreg:$0x0];
	s2 =	stileid.u32  }
0x186: {  	s1 =	rddreg [dreg:$0x1];
	p0 =	sne.s32 s2, $0x0  }
0x187: {  	s3 =	rddreg [dreg:$0x2];
	[bflag:$0x3] =	sbarrier.arrive $0xFFFF;
	s2 =	simm.s32 @!p0 $0x1C02  }
0x188: {  	[timem:s3], [sflag:s2] =	dma.local @!p0 [hbm:s0], s1  }
0x189: {  	s0 =	simm.s32 @!p0 $0x2  }
0x18a: {  	_ =	swait.ge @!p0 [sflag:s0], s1  }
0x18b: {  	s1 =	ssub.s32 @!p0 $0x0, s1;
	[sflag:s0] =	ssyncset.done @!p0 $0x0  }
0x18c: {  	[sflag:s0] =	ssyncadd.s32 @!p0 s1  }
0x18d: {  	[bflag:$0x3] =	sbarrier.arrive $0xFFFF  }
0x18e: {  	_ =	shalt  }

</sc_bundles>
